<compile_context>
chip_gen: v7x
topology: tpu7x:2x2x1
jax: 0.10.2.dev20260603
libtpu: 0.0.44.dev20260713+nightly
codegen_flags: <defaults>
</compile_context>

<pallas_src>
import functools

import jax
import jax.numpy as jnp
from jax import lax
from jax.experimental import pallas as pl
from jax.experimental.pallas import tpu as pltpu
from jax.experimental.pallas import tpu_sc as plsc

_B, _S, _D = 4, 2048, 768
_PAD = 1
_EPS = 1e-12
_NC, _NS = 2, 16
_NW = _NC * _NS
_TOK = _B * _S
_TPW = _TOK // _NW
_K = 32
_NCH = _TPW // _K
_NBUF = 4
_TB = 2048

_mesh = plsc.VectorSubcoreMesh(core_axis_name="c", subcore_axis_name="s")


@functools.partial(
    pl.kernel,
    out_type=jax.ShapeDtypeStruct((_TOK, _D), jnp.float32),
    mesh=_mesh,
    scratch_types=[
        pltpu.VMEM((_TPW,), jnp.int32),
        pltpu.VMEM((_NBUF, _K, _D), jnp.float32),
        pltpu.SemaphoreType.DMA,
        pltpu.SemaphoreType.DMA,
        pltpu.SemaphoreType.DMA,
        pltpu.SemaphoreType.DMA,
        pltpu.SemaphoreType.DMA,
        pltpu.SemaphoreType.DMA,
        pltpu.SemaphoreType.DMA,
        pltpu.SemaphoreType.DMA,
    ],
)
def _gather_rows(x_hbm, wt_hbm, out_hbm, idx_v, rows_v,
                 g0, g1, g2, g3, o0, o1, o2, o3):
    wid = lax.axis_index("s") * _NC + lax.axis_index("c")
    base = wid * _TPW
    gsems = (g0, g1, g2, g3)
    osems = (o0, o1, o2, o3)

    pltpu.sync_copy(x_hbm.at[pl.ds(base, _TPW)], idx_v)

    def gather_desc(buf, tk0):
        return pltpu.make_async_copy(
            wt_hbm.at[idx_v.at[pl.ds(tk0, _K)]], rows_v.at[buf], gsems[buf])

    def out_desc(buf, tk0):
        return pltpu.make_async_copy(
            rows_v.at[buf], out_hbm.at[pl.ds(base + tk0, _K)], osems[buf])

    for b in range(_NBUF - 1):
        gather_desc(b, b * _K).start()

    def step(c4, carry0):
        for sub in range(_NBUF):
            c = c4 * _NBUF + sub
            tk0 = pl.multiple_of(c * _K, _K)
            gather_desc(sub, tk0).wait()
            out_desc(sub, tk0).start()

            @pl.when(c + _NBUF - 1 < _NCH)
            def _():
                @pl.when(c >= 1)
                def _():
                    prev = pl.multiple_of((c - 1) * _K, _K)
                    out_desc((sub + _NBUF - 1) % _NBUF, prev).wait()
                nxt = pl.multiple_of((c + _NBUF - 1) * _K, _K)
                gather_desc((sub + _NBUF - 1) % _NBUF, nxt).start()
        return carry0

    lax.fori_loop(0, _NCH // _NBUF, step, 0)

    for c in range(_NCH - _NBUF, _NCH):
        out_desc(c % _NBUF, c * _K).wait()


_PB = _S // _TB


def _ln_body(rows_ref, pos_ref, posn_ref, segid_ref, segtab_ref, g_ref,
             b_ref, o_ref):
    pos = jnp.concatenate(
        [pos_ref[_PAD + 1:, :], posn_ref[:_PAD + 1, :]], axis=0)
    h = rows_ref[...] + pos
    sv = segid_ref[...]
    s0 = segtab_ref[0:1, :]
    s1 = segtab_ref[1:2, :]
    h = h + jnp.where(sv > 0, s1, s0)
    mean = jnp.mean(h, axis=1, keepdims=True)
    var = jnp.mean(h * h, axis=1, keepdims=True) - mean * mean
    hn = (h - mean) * lax.rsqrt(var + _EPS)
    o_ref[...] = hn * g_ref[...] + b_ref[...]


_ln_call = pl.pallas_call(
    _ln_body,
    out_shape=jax.ShapeDtypeStruct((_TOK, _D), jnp.float32),
    grid=(_PB, _B),
    in_specs=[
        pl.BlockSpec((_TB, _D), lambda p, b: (b * _PB + p, 0)),
        pl.BlockSpec((_TB, _D), lambda p, b: (p, 0)),
        pl.BlockSpec((8, _D),
                     lambda p, b: (p * (_TB // 8) + _TB // 8, 0)),
        pl.BlockSpec((_TB, 1), lambda p, b: (b * _PB + p, 0)),
        pl.BlockSpec((2, _D), lambda p, b: (0, 0)),
        pl.BlockSpec((1, _D), lambda p, b: (0, 0)),
        pl.BlockSpec((1, _D), lambda p, b: (0, 0)),
    ],
    out_specs=pl.BlockSpec((_TB, _D), lambda p, b: (b * _PB + p, 0)),
)


def kernel(x, seg, word_table, pos_table, seg_table, gamma, beta):
    xf = x.reshape(-1).astype(jnp.int32)
    rows = _gather_rows(xf, word_table)
    out = _ln_call(rows, pos_table, pos_table,
                   seg.reshape(-1, 1).astype(jnp.int32),
                   seg_table, gamma.reshape(1, _D), beta.reshape(1, _D))
    return out.reshape(_B, _S, _D)

# --- scband reference (transcript-rebuilt; emitter-appended) ---
"""Pipeline reference for scband-plain-embedder-4157528342606 (READ-ONLY COPY).

The authoritative reference and input builder live on the scoring server;
editing this copy changes nothing except your own understanding.
"""

import jax, jax.numpy as jnp
import numpy as np

B, S, D = 4, 2048, 768
V, P, T = 100000, 4096, 2
PADDING_IDX = 1
EPS = 1e-12


def setup_inputs(seed: int = 0) -> dict:
    key = jax.random.key(seed)
    k1, k2, k3, k4, k5 = jax.random.split(key, 5)
    x = jax.random.randint(k1, (B, S), 0, V, dtype=jnp.int64) if jax.config.read('jax_enable_x64') else jax.random.randint(k1, (B, S), 0, V, dtype=jnp.int32)
    seg = jax.random.randint(k2, (B, S), 0, T, dtype=jnp.int32)
    word_table = jax.random.normal(k3, (V, D), dtype=jnp.float32) * 0.02
    pos_table = jax.random.normal(k4, (P, D), dtype=jnp.float32) * 0.02
    seg_table = jax.random.normal(k5, (T, D), dtype=jnp.float32) * 0.02
    gamma = jnp.ones((D,), dtype=jnp.float32)
    beta = jnp.zeros((D,), dtype=jnp.float32)
    return {"x": x, "seg": seg, "word_table": word_table, "pos_table": pos_table, "seg_table": seg_table, "gamma": gamma, "beta": beta}


def reference(x, seg, word_table, pos_table, seg_table, gamma, beta):
    # pos ids: range(padding_idx+1, seq_len+padding_idx+1), broadcast to x's shape
    seq_len = x.shape[1]
    pos_ids = jnp.arange(PADDING_IDX + 1, seq_len + PADDING_IDX + 1)
    pos_ids = jnp.broadcast_to(pos_ids[None, :], x.shape)
    h = jnp.take(word_table, x, axis=0)
    h = h + jnp.take(pos_table, pos_ids, axis=0)
    h = h + jnp.take(seg_table, seg, axis=0)
    # LayerNorm over last axis (Keras default), eps=1e-12
    mean = jnp.mean(h, axis=-1, keepdims=True)
    var = jnp.mean(jnp.square(h - mean), axis=-1, keepdims=True)
    h = (h - mean) / jnp.sqrt(var + EPS)
    h = h * gamma + beta
    # dropout inactive (training=False)
    return h

if __name__ == "__main__":
    import jax
    _d = setup_inputs()
    print(jax.jit(kernel)(*tuple(_d.values())))

</pallas_src>

<mosaic_0001>
#map = affine_map<(d0, d1) -> (0)>
#map1 = affine_map<(d0, d1) -> (0, 0)>
module attributes {stable_mosaic.version = 14 : i64} {
  func.func @_gather_rows(%arg0: i32, %arg1: i32, %arg2: memref<8192xi32, #tpu.memory_space<hbm>>, %arg3: memref<100000x768xf32, #tpu.memory_space<hbm>>, %arg4: memref<8192x768xf32, #tpu.memory_space<hbm>>, %arg5: memref<256xi32, #tpu.memory_space<vmem>>, %arg6: memref<4x32x768xf32, #tpu.memory_space<vmem>>, %arg7: memref<!tpu.dma_semaphore, #tpu.memory_space<semaphore_mem>>, %arg8: memref<!tpu.dma_semaphore, #tpu.memory_space<semaphore_mem>>, %arg9: memref<!tpu.dma_semaphore, #tpu.memory_space<semaphore_mem>>, %arg10: memref<!tpu.dma_semaphore, #tpu.memory_space<semaphore_mem>>, %arg11: memref<!tpu.dma_semaphore, #tpu.memory_space<semaphore_mem>>, %arg12: memref<!tpu.dma_semaphore, #tpu.memory_space<semaphore_mem>>, %arg13: memref<!tpu.dma_semaphore, #tpu.memory_space<semaphore_mem>>, %arg14: memref<!tpu.dma_semaphore, #tpu.memory_space<semaphore_mem>>) attributes {dimension_semantics = [#tpu.dimension_semantics<core_parallel>, #tpu.dimension_semantics<subcore_parallel>], iteration_bounds = array<i64: 2, 16>, scalar_prefetch = 0 : i64, scratch_operands = 10 : i64, tpu.core_type = #tpu.core_type<sc_vector_subcore>, window_params = [{transform_indices = #map}, {transform_indices = #map1}, {transform_indices = #map1}]} {
    %mul3A = arith.constant 2 : i32
    %mul3A_0 = arith.muli %arg1, %mul3A : i32
    %add3A = arith.addi %mul3A_0, %arg0 : i32
    %mul3A_1 = arith.constant 256 : i32
    %mul3A_2 = arith.muli %add3A, %mul3A_1 : i32
    "tpu.region"() ({
      %run_scoped3A = tpu.sem_alloc : memref<!tpu.dma_semaphore, #tpu.memory_space<semaphore_mem>>
      %dma_start3A_96 = tpu.memref_slice %arg2[%mul3A_2] : memref<8192xi32, #tpu.memory_space<hbm>> -> memref<256xi32, #tpu.memory_space<hbm>>
      %dma_start3A_97 = tpu.memref_slice %arg2[%mul3A_2] : memref<8192xi32, #tpu.memory_space<hbm>> -> memref<256xi32, #tpu.memory_space<hbm>>
      tpu.enqueue_dma source(%dma_start3A_97 : memref<256xi32, #tpu.memory_space<hbm>>) target(%arg5 : memref<256xi32, #tpu.memory_space<vmem>>) target_semaphore(%run_scoped3A : memref<!tpu.dma_semaphore, #tpu.memory_space<semaphore_mem>>)
      %dma_wait3A_98 = tpu.memref_slice %arg2[%mul3A_2] : memref<8192xi32, #tpu.memory_space<hbm>> -> memref<256xi32, #tpu.memory_space<hbm>>
      %dma_wait3A_99 = tpu.memref_slice %arg2[%mul3A_2] : memref<8192xi32, #tpu.memory_space<hbm>> -> memref<256xi32, #tpu.memory_space<hbm>>
      tpu.wait_dma2 semaphore(%run_scoped3A : memref<!tpu.dma_semaphore, #tpu.memory_space<semaphore_mem>>) src(%dma_wait3A_99 : memref<256xi32, #tpu.memory_space<hbm>>) dst(%arg5 : memref<256xi32, #tpu.memory_space<vmem>>)
      tpu.yield
    }) : () -> ()
    %dma_start3A = arith.constant 0 : i32
    %dma_start3A_3 = arith.constant 0 : i32
    %dma_start3A_4 = arith.constant 0 : i32
    %dma_start3A_5 = tpu.memref_slice %arg6[%dma_start3A, %dma_start3A_3, %dma_start3A_4] : memref<4x32x768xf32, #tpu.memory_space<vmem>> -> memref<1x32x768xf32, #tpu.memory_space<vmem>>
    %dma_start3A_6 = tpu.memref_squeeze %dma_start3A_5 : memref<1x32x768xf32, #tpu.memory_space<vmem>> -> memref<32x768xf32, #tpu.memory_space<vmem>>
    %dma_start3A_7 = arith.constant 0 : i32
    %dma_start3A_8 = tpu.memref_slice %arg5[%dma_start3A_7] : memref<256xi32, #tpu.memory_space<vmem>> -> memref<32xi32, #tpu.memory_space<vmem>>
    %dma_start3A_9 = arith.constant 0 : i32
    %dma_start3A_10 = arith.constant 0 : i32
    %dma_start3A_11 = tpu.memref_slice %arg3[%dma_start3A_9, %dma_start3A_10] : memref<100000x768xf32, #tpu.memory_space<hbm>> -> memref<100000x768xf32, #tpu.memory_space<hbm>>
    tpu.enqueue_indirect_dma source(%dma_start3A_11 : memref<100000x768xf32, #tpu.memory_space<hbm>>) target(%dma_start3A_6 : memref<32x768xf32, #tpu.memory_space<vmem>>) offsets(%dma_start3A_8 : memref<32xi32, #tpu.memory_space<vmem>>) semaphore(%arg7 : memref<!tpu.dma_semaphore, #tpu.memory_space<semaphore_mem>>)
    %dma_start3A_12 = arith.constant 1 : i32
    %dma_start3A_13 = arith.constant 0 : i32
    %dma_start3A_14 = arith.constant 0 : i32
    %dma_start3A_15 = tpu.memref_slice %arg6[%dma_start3A_12, %dma_start3A_13, %dma_start3A_14] : memref<4x32x768xf32, #tpu.memory_space<vmem>> -> memref<1x32x768xf32, #tpu.memory_space<vmem>>
    %dma_start3A_16 = tpu.memref_squeeze %dma_start3A_15 : memref<1x32x768xf32, #tpu.memory_space<vmem>> -> memref<32x768xf32, #tpu.memory_space<vmem>>
    %dma_start3A_17 = arith.constant 32 : i32
    %dma_start3A_18 = tpu.memref_slice %arg5[%dma_start3A_17] : memref<256xi32, #tpu.memory_space<vmem>> -> memref<32xi32, #tpu.memory_space<vmem>>
    %dma_start3A_19 = arith.constant 0 : i32
    %dma_start3A_20 = arith.constant 0 : i32
    %dma_start3A_21 = tpu.memref_slice %arg3[%dma_start3A_19, %dma_start3A_20] : memref<100000x768xf32, #tpu.memory_space<hbm>> -> memref<100000x768xf32, #tpu.memory_space<hbm>>
    tpu.enqueue_indirect_dma source(%dma_start3A_21 : memref<100000x768xf32, #tpu.memory_space<hbm>>) target(%dma_start3A_16 : memref<32x768xf32, #tpu.memory_space<vmem>>) offsets(%dma_start3A_18 : memref<32xi32, #tpu.memory_space<vmem>>) semaphore(%arg8 : memref<!tpu.dma_semaphore, #tpu.memory_space<semaphore_mem>>)
    %dma_start3A_22 = arith.constant 2 : i32
    %dma_start3A_23 = arith.constant 0 : i32
    %dma_start3A_24 = arith.constant 0 : i32
    %dma_start3A_25 = tpu.memref_slice %arg6[%dma_start3A_22, %dma_start3A_23, %dma_start3A_24] : memref<4x32x768xf32, #tpu.memory_space<vmem>> -> memref<1x32x768xf32, #tpu.memory_space<vmem>>
    %dma_start3A_26 = tpu.memref_squeeze %dma_start3A_25 : memref<1x32x768xf32, #tpu.memory_space<vmem>> -> memref<32x768xf32, #tpu.memory_space<vmem>>
    %dma_start3A_27 = arith.constant 64 : i32
    %dma_start3A_28 = tpu.memref_slice %arg5[%dma_start3A_27] : memref<256xi32, #tpu.memory_space<vmem>> -> memref<32xi32, #tpu.memory_space<vmem>>
    %dma_start3A_29 = arith.constant 0 : i32
    %dma_start3A_30 = arith.constant 0 : i32
    %dma_start3A_31 = tpu.memref_slice %arg3[%dma_start3A_29, %dma_start3A_30] : memref<100000x768xf32, #tpu.memory_space<hbm>> -> memref<100000x768xf32, #tpu.memory_space<hbm>>
    tpu.enqueue_indirect_dma source(%dma_start3A_31 : memref<100000x768xf32, #tpu.memory_space<hbm>>) target(%dma_start3A_26 : memref<32x768xf32, #tpu.memory_space<vmem>>) offsets(%dma_start3A_28 : memref<32xi32, #tpu.memory_space<vmem>>) semaphore(%arg9 : memref<!tpu.dma_semaphore, #tpu.memory_space<semaphore_mem>>)
    %scan3A = arith.constant 0 : i32
    %scan3A_32 = arith.constant 0 : i32
    %scan3A_33 = arith.constant 2 : i32
    %scan3A_34 = arith.addi %scan3A_32, %scan3A_33 : i32
    %scan3A_35 = arith.constant 1 : i32
    scf.for %scan3A_96 = %scan3A_32 to %scan3A_34 step %scan3A_35  : i32 {
      %mul3A_97 = arith.constant 4 : i32
      %mul3A_98 = arith.muli %scan3A_96, %mul3A_97 : i32
      %add3A_99 = arith.constant 0 : i32
      %add3A_100 = arith.addi %mul3A_98, %add3A_99 : i32
      %mul3A_101 = arith.constant 32 : i32
      %mul3A_102 = arith.muli %add3A_100, %mul3A_101 : i32
      %multiple_of3A = tpu.assume_multiple %mul3A_102, 32 : i32
      %dma_wait3A_103 = arith.constant 0 : i32
      %dma_wait3A_104 = arith.constant 0 : i32
      %dma_wait3A_105 = arith.constant 0 : i32
      %dma_wait3A_106 = tpu.memref_slice %arg6[%dma_wait3A_103, %dma_wait3A_104, %dma_wait3A_105] : memref<4x32x768xf32, #tpu.memory_space<vmem>> -> memref<1x32x768xf32, #tpu.memory_space<vmem>>
      %dma_wait3A_107 = tpu.memref_squeeze %dma_wait3A_106 : memref<1x32x768xf32, #tpu.memory_space<vmem>> -> memref<32x768xf32, #tpu.memory_space<vmem>>
      %dma_wait3A_108 = tpu.memref_slice %arg5[%multiple_of3A] : memref<256xi32, #tpu.memory_space<vmem>> -> memref<32xi32, #tpu.memory_space<vmem>>
      %dma_wait3A_109 = arith.constant 0 : i32
      %dma_wait3A_110 = arith.constant 0 : i32
      %dma_wait3A_111 = tpu.memref_slice %arg3[%dma_wait3A_109, %dma_wait3A_110] : memref<100000x768xf32, #tpu.memory_space<hbm>> -> memref<100000x768xf32, #tpu.memory_space<hbm>>
      tpu.wait_indirect_dma semaphore(%arg7 : memref<!tpu.dma_semaphore, #tpu.memory_space<semaphore_mem>>) src(%dma_wait3A_111 : memref<100000x768xf32, #tpu.memory_space<hbm>>) dst(%dma_wait3A_107 : memref<32x768xf32, #tpu.memory_space<vmem>>)
      %add3A_112 = arith.addi %mul3A_2, %multiple_of3A : i32
      %dma_start3A_113 = arith.constant 0 : i32
      %dma_start3A_114 = arith.constant 0 : i32
      %dma_start3A_115 = arith.constant 0 : i32
      %dma_start3A_116 = tpu.memref_slice %arg6[%dma_start3A_113, %dma_start3A_114, %dma_start3A_115] : memref<4x32x768xf32, #tpu.memory_space<vmem>> -> memref<1x32x768xf32, #tpu.memory_space<vmem>>
      %dma_start3A_117 = tpu.memref_squeeze %dma_start3A_116 : memref<1x32x768xf32, #tpu.memory_space<vmem>> -> memref<32x768xf32, #tpu.memory_space<vmem>>
      %dma_start3A_118 = arith.constant 0 : i32
      %dma_start3A_119 = tpu.memref_slice %arg4[%add3A_112, %dma_start3A_118] : memref<8192x768xf32, #tpu.memory_space<hbm>> -> memref<32x768xf32, #tpu.memory_space<hbm>>
      %dma_start3A_120 = arith.constant 0 : i32
      %dma_start3A_121 = tpu.memref_slice %arg4[%add3A_112, %dma_start3A_120] : memref<8192x768xf32, #tpu.memory_space<hbm>> -> memref<32x768xf32, #tpu.memory_space<hbm>>
      %dma_start3A_122 = arith.constant 0 : i32
      %dma_start3A_123 = arith.constant 0 : i32
      %dma_start3A_124 = tpu.memref_slice %arg6[%dma_start3A_113, %dma_start3A_122, %dma_start3A_123] : memref<4x32x768xf32, #tpu.memory_space<vmem>> -> memref<1x32x768xf32, #tpu.memory_space<vmem>>
      %dma_start3A_125 = tpu.memref_squeeze %dma_start3A_124 : memref<1x32x768xf32, #tpu.memory_space<vmem>> -> memref<32x768xf32, #tpu.memory_space<vmem>>
      tpu.enqueue_dma source(%dma_start3A_125 : memref<32x768xf32, #tpu.memory_space<vmem>>) target(%dma_start3A_121 : memref<32x768xf32, #tpu.memory_space<hbm>>) target_semaphore(%arg11 : memref<!tpu.dma_semaphore, #tpu.memory_space<semaphore_mem>>)
      %add3A_126 = arith.constant 4 : i32
      %add3A_127 = arith.addi %add3A_100, %add3A_126 : i32
      %sub3A = arith.constant 1 : i32
      %sub3A_128 = arith.subi %add3A_127, %sub3A : i32
      %lt3A = arith.constant 8 : i32
      %lt3A_129 = arith.cmpi slt, %sub3A_128, %lt3A : i32
      %convert_element_type3A = arith.extui %lt3A_129 : i1 to i32
      %cond3A = arith.constant 0 : i32
      %cond3A_130 = arith.cmpi ne, %convert_element_type3A, %cond3A : i32
      scf.if %cond3A_130 {
        %ge3A = arith.constant 1 : i32
        %ge3A_248 = arith.cmpi sge, %add3A_100, %ge3A : i32
        %convert_element_type3A_249 = arith.extui %ge3A_248 : i1 to i32
        %cond3A_250 = arith.constant 0 : i32
        %cond3A_251 = arith.cmpi ne, %convert_element_type3A_249, %cond3A_250 : i32
        scf.if %cond3A_251 {
          %sub3A_268 = arith.constant 1 : i32
          %sub3A_269 = arith.subi %add3A_100, %sub3A_268 : i32
          %mul3A_270 = arith.constant 32 : i32
          %mul3A_271 = arith.muli %sub3A_269, %mul3A_270 : i32
          %multiple_of3A_272 = tpu.assume_multiple %mul3A_271, 32 : i32
          %add3A_273 = arith.addi %mul3A_2, %multiple_of3A_272 : i32
          %dma_wait3A_274 = arith.constant 3 : i32
          %dma_wait3A_275 = arith.constant 0 : i32
          %dma_wait3A_276 = arith.constant 0 : i32
          %dma_wait3A_277 = tpu.memref_slice %arg6[%dma_wait3A_274, %dma_wait3A_275, %dma_wait3A_276] : memref<4x32x768xf32, #tpu.memory_space<vmem>> -> memref<1x32x768xf32, #tpu.memory_space<vmem>>
          %dma_wait3A_278 = tpu.memref_squeeze %dma_wait3A_277 : memref<1x32x768xf32, #tpu.memory_space<vmem>> -> memref<32x768xf32, #tpu.memory_space<vmem>>
          %dma_wait3A_279 = arith.constant 0 : i32
          %dma_wait3A_280 = tpu.memref_slice %arg4[%add3A_273, %dma_wait3A_279] : memref<8192x768xf32, #tpu.memory_space<hbm>> -> memref<32x768xf32, #tpu.memory_space<hbm>>
          %dma_wait3A_281 = arith.constant 0 : i32
          %dma_wait3A_282 = tpu.memref_slice %arg4[%add3A_273, %dma_wait3A_281] : memref<8192x768xf32, #tpu.memory_space<hbm>> -> memref<32x768xf32, #tpu.memory_space<hbm>>
          %dma_wait3A_283 = arith.constant 0 : i32
          %dma_wait3A_284 = arith.constant 0 : i32
          %dma_wait3A_285 = tpu.memref_slice %arg6[%dma_wait3A_274, %dma_wait3A_283, %dma_wait3A_284] : memref<4x32x768xf32, #tpu.memory_space<vmem>> -> memref<1x32x768xf32, #tpu.memory_space<vmem>>
          %dma_wait3A_286 = tpu.memref_squeeze %dma_wait3A_285 : memref<1x32x768xf32, #tpu.memory_space<vmem>> -> memref<32x768xf32, #tpu.memory_space<vmem>>
          tpu.wait_dma2 semaphore(%arg14 : memref<!tpu.dma_semaphore, #tpu.memory_space<semaphore_mem>>) src(%dma_wait3A_286 : memref<32x768xf32, #tpu.memory_space<vmem>>) dst(%dma_wait3A_282 : memref<32x768xf32, #tpu.memory_space<hbm>>)
        } else {
        }
        %add3A_252 = arith.constant 4 : i32
        %add3A_253 = arith.addi %add3A_100, %add3A_252 : i32
        %sub3A_254 = arith.constant 1 : i32
        %sub3A_255 = arith.subi %add3A_253, %sub3A_254 : i32
        %mul3A_256 = arith.constant 32 : i32
        %mul3A_257 = arith.muli %sub3A_255, %mul3A_256 : i32
        %multiple_of3A_258 = tpu.assume_multiple %mul3A_257, 32 : i32
        %dma_start3A_259 = arith.constant 3 : i32
        %dma_start3A_260 = arith.constant 0 : i32
        %dma_start3A_261 = arith.constant 0 : i32
        %dma_start3A_262 = tpu.memref_slice %arg6[%dma_start3A_259, %dma_start3A_260, %dma_start3A_261] : memref<4x32x768xf32, #tpu.memory_space<vmem>> -> memref<1x32x768xf32, #tpu.memory_space<vmem>>
        %dma_start3A_263 = tpu.memref_squeeze %dma_start3A_262 : memref<1x32x768xf32, #tpu.memory_space<vmem>> -> memref<32x768xf32, #tpu.memory_space<vmem>>
        %dma_start3A_264 = tpu.memref_slice %arg5[%multiple_of3A_258] : memref<256xi32, #tpu.memory_space<vmem>> -> memref<32xi32, #tpu.memory_space<vmem>>
        %dma_start3A_265 = arith.constant 0 : i32
        %dma_start3A_266 = arith.constant 0 : i32
        %dma_start3A_267 = tpu.memref_slice %arg3[%dma_start3A_265, %dma_start3A_266] : memref<100000x768xf32, #tpu.memory_space<hbm>> -> memref<100000x768xf32, #tpu.memory_space<hbm>>
        tpu.enqueue_indirect_dma source(%dma_start3A_267 : memref<100000x768xf32, #tpu.memory_space<hbm>>) target(%dma_start3A_263 : memref<32x768xf32, #tpu.memory_space<vmem>>) offsets(%dma_start3A_264 : memref<32xi32, #tpu.memory_space<vmem>>) semaphore(%arg10 : memref<!tpu.dma_semaphore, #tpu.memory_space<semaphore_mem>>)
      } else {
      }
      %mul3A_131 = arith.constant 4 : i32
      %mul3A_132 = arith.muli %scan3A_96, %mul3A_131 : i32
      %add3A_133 = arith.constant 1 : i32
      %add3A_134 = arith.addi %mul3A_132, %add3A_133 : i32
      %mul3A_135 = arith.constant 32 : i32
      %mul3A_136 = arith.muli %add3A_134, %mul3A_135 : i32
      %multiple_of3A_137 = tpu.assume_multiple %mul3A_136, 32 : i32
      %dma_wait3A_138 = arith.constant 1 : i32
      %dma_wait3A_139 = arith.constant 0 : i32
      %dma_wait3A_140 = arith.constant 0 : i32
      %dma_wait3A_141 = tpu.memref_slice %arg6[%dma_wait3A_138, %dma_wait3A_139, %dma_wait3A_140] : memref<4x32x768xf32, #tpu.memory_space<vmem>> -> memref<1x32x768xf32, #tpu.memory_space<vmem>>
      %dma_wait3A_142 = tpu.memref_squeeze %dma_wait3A_141 : memref<1x32x768xf32, #tpu.memory_space<vmem>> -> memref<32x768xf32, #tpu.memory_space<vmem>>
      %dma_wait3A_143 = tpu.memref_slice %arg5[%multiple_of3A_137] : memref<256xi32, #tpu.memory_space<vmem>> -> memref<32xi32, #tpu.memory_space<vmem>>
      %dma_wait3A_144 = arith.constant 0 : i32
      %dma_wait3A_145 = arith.constant 0 : i32
      %dma_wait3A_146 = tpu.memref_slice %arg3[%dma_wait3A_144, %dma_wait3A_145] : memref<100000x768xf32, #tpu.memory_space<hbm>> -> memref<100000x768xf32, #tpu.memory_space<hbm>>
      tpu.wait_indirect_dma semaphore(%arg8 : memref<!tpu.dma_semaphore, #tpu.memory_space<semaphore_mem>>) src(%dma_wait3A_146 : memref<100000x768xf32, #tpu.memory_space<hbm>>) dst(%dma_wait3A_142 : memref<32x768xf32, #tpu.memory_space<vmem>>)
      %add3A_147 = arith.addi %mul3A_2, %multiple_of3A_137 : i32
      %dma_start3A_148 = arith.constant 1 : i32
      %dma_start3A_149 = arith.constant 0 : i32
      %dma_start3A_150 = arith.constant 0 : i32
      %dma_start3A_151 = tpu.memref_slice %arg6[%dma_start3A_148, %dma_start3A_149, %dma_start3A_150] : memref<4x32x768xf32, #tpu.memory_space<vmem>> -> memref<1x32x768xf32, #tpu.memory_space<vmem>>
      %dma_start3A_152 = tpu.memref_squeeze %dma_start3A_151 : memref<1x32x768xf32, #tpu.memory_space<vmem>> -> memref<32x768xf32, #tpu.memory_space<vmem>>
      %dma_start3A_153 = arith.constant 0 : i32
      %dma_start3A_154 = tpu.memref_slice %arg4[%add3A_147, %dma_start3A_153] : memref<8192x768xf32, #tpu.memory_space<hbm>> -> memref<32x768xf32, #tpu.memory_space<hbm>>
      %dma_start3A_155 = arith.constant 0 : i32
      %dma_start3A_156 = tpu.memref_slice %arg4[%add3A_147, %dma_start3A_155] : memref<8192x768xf32, #tpu.memory_space<hbm>> -> memref<32x768xf32, #tpu.memory_space<hbm>>
      %dma_start3A_157 = arith.constant 0 : i32
      %dma_start3A_158 = arith.constant 0 : i32
      %dma_start3A_159 = tpu.memref_slice %arg6[%dma_start3A_148, %dma_start3A_157, %dma_start3A_158] : memref<4x32x768xf32, #tpu.memory_space<vmem>> -> memref<1x32x768xf32, #tpu.memory_space<vmem>>
      %dma_start3A_160 = tpu.memref_squeeze %dma_start3A_159 : memref<1x32x768xf32, #tpu.memory_space<vmem>> -> memref<32x768xf32, #tpu.memory_space<vmem>>
      tpu.enqueue_dma source(%dma_start3A_160 : memref<32x768xf32, #tpu.memory_space<vmem>>) target(%dma_start3A_156 : memref<32x768xf32, #tpu.memory_space<hbm>>) target_semaphore(%arg12 : memref<!tpu.dma_semaphore, #tpu.memory_space<semaphore_mem>>)
      %add3A_161 = arith.constant 4 : i32
      %add3A_162 = arith.addi %add3A_134, %add3A_161 : i32
      %sub3A_163 = arith.constant 1 : i32
      %sub3A_164 = arith.subi %add3A_162, %sub3A_163 : i32
      %lt3A_165 = arith.constant 8 : i32
      %lt3A_166 = arith.cmpi slt, %sub3A_164, %lt3A_165 : i32
      %convert_element_type3A_167 = arith.extui %lt3A_166 : i1 to i32
      %cond3A_168 = arith.constant 0 : i32
      %cond3A_169 = arith.cmpi ne, %convert_element_type3A_167, %cond3A_168 : i32
      scf.if %cond3A_169 {
        %ge3A = arith.constant 1 : i32
        %ge3A_248 = arith.cmpi sge, %add3A_134, %ge3A : i32
        %convert_element_type3A_249 = arith.extui %ge3A_248 : i1 to i32
        %cond3A_250 = arith.constant 0 : i32
        %cond3A_251 = arith.cmpi ne, %convert_element_type3A_249, %cond3A_250 : i32
        scf.if %cond3A_251 {
          %sub3A_268 = arith.constant 1 : i32
          %sub3A_269 = arith.subi %add3A_134, %sub3A_268 : i32
          %mul3A_270 = arith.constant 32 : i32
          %mul3A_271 = arith.muli %sub3A_269, %mul3A_270 : i32
          %multiple_of3A_272 = tpu.assume_multiple %mul3A_271, 32 : i32
          %add3A_273 = arith.addi %mul3A_2, %multiple_of3A_272 : i32
          %dma_wait3A_274 = arith.constant 0 : i32
          %dma_wait3A_275 = arith.constant 0 : i32
          %dma_wait3A_276 = arith.constant 0 : i32
          %dma_wait3A_277 = tpu.memref_slice %arg6[%dma_wait3A_274, %dma_wait3A_275, %dma_wait3A_276] : memref<4x32x768xf32, #tpu.memory_space<vmem>> -> memref<1x32x768xf32, #tpu.memory_space<vmem>>
          %dma_wait3A_278 = tpu.memref_squeeze %dma_wait3A_277 : memref<1x32x768xf32, #tpu.memory_space<vmem>> -> memref<32x768xf32, #tpu.memory_space<vmem>>
          %dma_wait3A_279 = arith.constant 0 : i32
          %dma_wait3A_280 = tpu.memref_slice %arg4[%add3A_273, %dma_wait3A_279] : memref<8192x768xf32, #tpu.memory_space<hbm>> -> memref<32x768xf32, #tpu.memory_space<hbm>>
          %dma_wait3A_281 = arith.constant 0 : i32
          %dma_wait3A_282 = tpu.memref_slice %arg4[%add3A_273, %dma_wait3A_281] : memref<8192x768xf32, #tpu.memory_space<hbm>> -> memref<32x768xf32, #tpu.memory_space<hbm>>
          %dma_wait3A_283 = arith.constant 0 : i32
          %dma_wait3A_284 = arith.constant 0 : i32
          %dma_wait3A_285 = tpu.memref_slice %arg6[%dma_wait3A_274, %dma_wait3A_283, %dma_wait3A_284] : memref<4x32x768xf32, #tpu.memory_space<vmem>> -> memref<1x32x768xf32, #tpu.memory_space<vmem>>
          %dma_wait3A_286 = tpu.memref_squeeze %dma_wait3A_285 : memref<1x32x768xf32, #tpu.memory_space<vmem>> -> memref<32x768xf32, #tpu.memory_space<vmem>>
          tpu.wait_dma2 semaphore(%arg11 : memref<!tpu.dma_semaphore, #tpu.memory_space<semaphore_mem>>) src(%dma_wait3A_286 : memref<32x768xf32, #tpu.memory_space<vmem>>) dst(%dma_wait3A_282 : memref<32x768xf32, #tpu.memory_space<hbm>>)
        } else {
        }
        %add3A_252 = arith.constant 4 : i32
        %add3A_253 = arith.addi %add3A_134, %add3A_252 : i32
        %sub3A_254 = arith.constant 1 : i32
        %sub3A_255 = arith.subi %add3A_253, %sub3A_254 : i32
        %mul3A_256 = arith.constant 32 : i32
        %mul3A_257 = arith.muli %sub3A_255, %mul3A_256 : i32
        %multiple_of3A_258 = tpu.assume_multiple %mul3A_257, 32 : i32
        %dma_start3A_259 = arith.constant 0 : i32
        %dma_start3A_260 = arith.constant 0 : i32
        %dma_start3A_261 = arith.constant 0 : i32
        %dma_start3A_262 = tpu.memref_slice %arg6[%dma_start3A_259, %dma_start3A_260, %dma_start3A_261] : memref<4x32x768xf32, #tpu.memory_space<vmem>> -> memref<1x32x768xf32, #tpu.memory_space<vmem>>
        %dma_start3A_263 = tpu.memref_squeeze %dma_start3A_262 : memref<1x32x768xf32, #tpu.memory_space<vmem>> -> memref<32x768xf32, #tpu.memory_space<vmem>>
        %dma_start3A_264 = tpu.memref_slice %arg5[%multiple_of3A_258] : memref<256xi32, #tpu.memory_space<vmem>> -> memref<32xi32, #tpu.memory_space<vmem>>
        %dma_start3A_265 = arith.constant 0 : i32
        %dma_start3A_266 = arith.constant 0 : i32
        %dma_start3A_267 = tpu.memref_slice %arg3[%dma_start3A_265, %dma_start3A_266] : memref<100000x768xf32, #tpu.memory_space<hbm>> -> memref<100000x768xf32, #tpu.memory_space<hbm>>
        tpu.enqueue_indirect_dma source(%dma_start3A_267 : memref<100000x768xf32, #tpu.memory_space<hbm>>) target(%dma_start3A_263 : memref<32x768xf32, #tpu.memory_space<vmem>>) offsets(%dma_start3A_264 : memref<32xi32, #tpu.memory_space<vmem>>) semaphore(%arg7 : memref<!tpu.dma_semaphore, #tpu.memory_space<semaphore_mem>>)
      } else {
      }
      %mul3A_170 = arith.constant 4 : i32
      %mul3A_171 = arith.muli %scan3A_96, %mul3A_170 : i32
      %add3A_172 = arith.constant 2 : i32
      %add3A_173 = arith.addi %mul3A_171, %add3A_172 : i32
      %mul3A_174 = arith.constant 32 : i32
      %mul3A_175 = arith.muli %add3A_173, %mul3A_174 : i32
      %multiple_of3A_176 = tpu.assume_multiple %mul3A_175, 32 : i32
      %dma_wait3A_177 = arith.constant 2 : i32
      %dma_wait3A_178 = arith.constant 0 : i32
      %dma_wait3A_179 = arith.constant 0 : i32
      %dma_wait3A_180 = tpu.memref_slice %arg6[%dma_wait3A_177, %dma_wait3A_178, %dma_wait3A_179] : memref<4x32x768xf32, #tpu.memory_space<vmem>> -> memref<1x32x768xf32, #tpu.memory_space<vmem>>
      %dma_wait3A_181 = tpu.memref_squeeze %dma_wait3A_180 : memref<1x32x768xf32, #tpu.memory_space<vmem>> -> memref<32x768xf32, #tpu.memory_space<vmem>>
      %dma_wait3A_182 = tpu.memref_slice %arg5[%multiple_of3A_176] : memref<256xi32, #tpu.memory_space<vmem>> -> memref<32xi32, #tpu.memory_space<vmem>>
      %dma_wait3A_183 = arith.constant 0 : i32
      %dma_wait3A_184 = arith.constant 0 : i32
      %dma_wait3A_185 = tpu.memref_slice %arg3[%dma_wait3A_183, %dma_wait3A_184] : memref<100000x768xf32, #tpu.memory_space<hbm>> -> memref<100000x768xf32, #tpu.memory_space<hbm>>
      tpu.wait_indirect_dma semaphore(%arg9 : memref<!tpu.dma_semaphore, #tpu.memory_space<semaphore_mem>>) src(%dma_wait3A_185 : memref<100000x768xf32, #tpu.memory_space<hbm>>) dst(%dma_wait3A_181 : memref<32x768xf32, #tpu.memory_space<vmem>>)
      %add3A_186 = arith.addi %mul3A_2, %multiple_of3A_176 : i32
      %dma_start3A_187 = arith.constant 2 : i32
      %dma_start3A_188 = arith.constant 0 : i32
      %dma_start3A_189 = arith.constant 0 : i32
      %dma_start3A_190 = tpu.memref_slice %arg6[%dma_start3A_187, %dma_start3A_188, %dma_start3A_189] : memref<4x32x768xf32, #tpu.memory_space<vmem>> -> memref<1x32x768xf32, #tpu.memory_space<vmem>>
      %dma_start3A_191 = tpu.memref_squeeze %dma_start3A_190 : memref<1x32x768xf32, #tpu.memory_space<vmem>> -> memref<32x768xf32, #tpu.memory_space<vmem>>
      %dma_start3A_192 = arith.constant 0 : i32
      %dma_start3A_193 = tpu.memref_slice %arg4[%add3A_186, %dma_start3A_192] : memref<8192x768xf32, #tpu.memory_space<hbm>> -> memref<32x768xf32, #tpu.memory_space<hbm>>
      %dma_start3A_194 = arith.constant 0 : i32
      %dma_start3A_195 = tpu.memref_slice %arg4[%add3A_186, %dma_start3A_194] : memref<8192x768xf32, #tpu.memory_space<hbm>> -> memref<32x768xf32, #tpu.memory_space<hbm>>
      %dma_start3A_196 = arith.constant 0 : i32
      %dma_start3A_197 = arith.constant 0 : i32
      %dma_start3A_198 = tpu.memref_slice %arg6[%dma_start3A_187, %dma_start3A_196, %dma_start3A_197] : memref<4x32x768xf32, #tpu.memory_space<vmem>> -> memref<1x32x768xf32, #tpu.memory_space<vmem>>
      %dma_start3A_199 = tpu.memref_squeeze %dma_start3A_198 : memref<1x32x768xf32, #tpu.memory_space<vmem>> -> memref<32x768xf32, #tpu.memory_space<vmem>>
      tpu.enqueue_dma source(%dma_start3A_199 : memref<32x768xf32, #tpu.memory_space<vmem>>) target(%dma_start3A_195 : memref<32x768xf32, #tpu.memory_space<hbm>>) target_semaphore(%arg13 : memref<!tpu.dma_semaphore, #tpu.memory_space<semaphore_mem>>)
      %add3A_200 = arith.constant 4 : i32
      %add3A_201 = arith.addi %add3A_173, %add3A_200 : i32
      %sub3A_202 = arith.constant 1 : i32
      %sub3A_203 = arith.subi %add3A_201, %sub3A_202 : i32
      %lt3A_204 = arith.constant 8 : i32
      %lt3A_205 = arith.cmpi slt, %sub3A_203, %lt3A_204 : i32
      %convert_element_type3A_206 = arith.extui %lt3A_205 : i1 to i32
      %cond3A_207 = arith.constant 0 : i32
      %cond3A_208 = arith.cmpi ne, %convert_element_type3A_206, %cond3A_207 : i32
      scf.if %cond3A_208 {
        %ge3A = arith.constant 1 : i32
        %ge3A_248 = arith.cmpi sge, %add3A_173, %ge3A : i32
        %convert_element_type3A_249 = arith.extui %ge3A_248 : i1 to i32
        %cond3A_250 = arith.constant 0 : i32
        %cond3A_251 = arith.cmpi ne, %convert_element_type3A_249, %cond3A_250 : i32
        scf.if %cond3A_251 {
          %sub3A_268 = arith.constant 1 : i32
          %sub3A_269 = arith.subi %add3A_173, %sub3A_268 : i32
          %mul3A_270 = arith.constant 32 : i32
          %mul3A_271 = arith.muli %sub3A_269, %mul3A_270 : i32
          %multiple_of3A_272 = tpu.assume_multiple %mul3A_271, 32 : i32
          %add3A_273 = arith.addi %mul3A_2, %multiple_of3A_272 : i32
          %dma_wait3A_274 = arith.constant 1 : i32
          %dma_wait3A_275 = arith.constant 0 : i32
          %dma_wait3A_276 = arith.constant 0 : i32
          %dma_wait3A_277 = tpu.memref_slice %arg6[%dma_wait3A_274, %dma_wait3A_275, %dma_wait3A_276] : memref<4x32x768xf32, #tpu.memory_space<vmem>> -> memref<1x32x768xf32, #tpu.memory_space<vmem>>
          %dma_wait3A_278 = tpu.memref_squeeze %dma_wait3A_277 : memref<1x32x768xf32, #tpu.memory_space<vmem>> -> memref<32x768xf32, #tpu.memory_space<vmem>>
          %dma_wait3A_279 = arith.constant 0 : i32
          %dma_wait3A_280 = tpu.memref_slice %arg4[%add3A_273, %dma_wait3A_279] : memref<8192x768xf32, #tpu.memory_space<hbm>> -> memref<32x768xf32, #tpu.memory_space<hbm>>
          %dma_wait3A_281 = arith.constant 0 : i32
          %dma_wait3A_282 = tpu.memref_slice %arg4[%add3A_273, %dma_wait3A_281] : memref<8192x768xf32, #tpu.memory_space<hbm>> -> memref<32x768xf32, #tpu.memory_space<hbm>>
          %dma_wait3A_283 = arith.constant 0 : i32
          %dma_wait3A_284 = arith.constant 0 : i32
          %dma_wait3A_285 = tpu.memref_slice %arg6[%dma_wait3A_274, %dma_wait3A_283, %dma_wait3A_284] : memref<4x32x768xf32, #tpu.memory_space<vmem>> -> memref<1x32x768xf32, #tpu.memory_space<vmem>>
          %dma_wait3A_286 = tpu.memref_squeeze %dma_wait3A_285 : memref<1x32x768xf32, #tpu.memory_space<vmem>> -> memref<32x768xf32, #tpu.memory_space<vmem>>
          tpu.wait_dma2 semaphore(%arg12 : memref<!tpu.dma_semaphore, #tpu.memory_space<semaphore_mem>>) src(%dma_wait3A_286 : memref<32x768xf32, #tpu.memory_space<vmem>>) dst(%dma_wait3A_282 : memref<32x768xf32, #tpu.memory_space<hbm>>)
        } else {
        }
        %add3A_252 = arith.constant 4 : i32
        %add3A_253 = arith.addi %add3A_173, %add3A_252 : i32
        %sub3A_254 = arith.constant 1 : i32
        %sub3A_255 = arith.subi %add3A_253, %sub3A_254 : i32
        %mul3A_256 = arith.constant 32 : i32
        %mul3A_257 = arith.muli %sub3A_255, %mul3A_256 : i32
        %multiple_of3A_258 = tpu.assume_multiple %mul3A_257, 32 : i32
        %dma_start3A_259 = arith.constant 1 : i32
        %dma_start3A_260 = arith.constant 0 : i32
        %dma_start3A_261 = arith.constant 0 : i32
        %dma_start3A_262 = tpu.memref_slice %arg6[%dma_start3A_259, %dma_start3A_260, %dma_start3A_261] : memref<4x32x768xf32, #tpu.memory_space<vmem>> -> memref<1x32x768xf32, #tpu.memory_space<vmem>>
        %dma_start3A_263 = tpu.memref_squeeze %dma_start3A_262 : memref<1x32x768xf32, #tpu.memory_space<vmem>> -> memref<32x768xf32, #tpu.memory_space<vmem>>
        %dma_start3A_264 = tpu.memref_slice %arg5[%multiple_of3A_258] : memref<256xi32, #tpu.memory_space<vmem>> -> memref<32xi32, #tpu.memory_space<vmem>>
        %dma_start3A_265 = arith.constant 0 : i32
        %dma_start3A_266 = arith.constant 0 : i32
        %dma_start3A_267 = tpu.memref_slice %arg3[%dma_start3A_265, %dma_start3A_266] : memref<100000x768xf32, #tpu.memory_space<hbm>> -> memref<100000x768xf32, #tpu.memory_space<hbm>>
        tpu.enqueue_indirect_dma source(%dma_start3A_267 : memref<100000x768xf32, #tpu.memory_space<hbm>>) target(%dma_start3A_263 : memref<32x768xf32, #tpu.memory_space<vmem>>) offsets(%dma_start3A_264 : memref<32xi32, #tpu.memory_space<vmem>>) semaphore(%arg8 : memref<!tpu.dma_semaphore, #tpu.memory_space<semaphore_mem>>)
      } else {
      }
      %mul3A_209 = arith.constant 4 : i32
      %mul3A_210 = arith.muli %scan3A_96, %mul3A_209 : i32
      %add3A_211 = arith.constant 3 : i32
      %add3A_212 = arith.addi %mul3A_210, %add3A_211 : i32
      %mul3A_213 = arith.constant 32 : i32
      %mul3A_214 = arith.muli %add3A_212, %mul3A_213 : i32
      %multiple_of3A_215 = tpu.assume_multiple %mul3A_214, 32 : i32
      %dma_wait3A_216 = arith.constant 3 : i32
      %dma_wait3A_217 = arith.constant 0 : i32
      %dma_wait3A_218 = arith.constant 0 : i32
      %dma_wait3A_219 = tpu.memref_slice %arg6[%dma_wait3A_216, %dma_wait3A_217, %dma_wait3A_218] : memref<4x32x768xf32, #tpu.memory_space<vmem>> -> memref<1x32x768xf32, #tpu.memory_space<vmem>>
      %dma_wait3A_220 = tpu.memref_squeeze %dma_wait3A_219 : memref<1x32x768xf32, #tpu.memory_space<vmem>> -> memref<32x768xf32, #tpu.memory_space<vmem>>
      %dma_wait3A_221 = tpu.memref_slice %arg5[%multiple_of3A_215] : memref<256xi32, #tpu.memory_space<vmem>> -> memref<32xi32, #tpu.memory_space<vmem>>
      %dma_wait3A_222 = arith.constant 0 : i32
      %dma_wait3A_223 = arith.constant 0 : i32
      %dma_wait3A_224 = tpu.memref_slice %arg3[%dma_wait3A_222, %dma_wait3A_223] : memref<100000x768xf32, #tpu.memory_space<hbm>> -> memref<100000x768xf32, #tpu.memory_space<hbm>>
      tpu.wait_indirect_dma semaphore(%arg10 : memref<!tpu.dma_semaphore, #tpu.memory_space<semaphore_mem>>) src(%dma_wait3A_224 : memref<100000x768xf32, #tpu.memory_space<hbm>>) dst(%dma_wait3A_220 : memref<32x768xf32, #tpu.memory_space<vmem>>)
      %add3A_225 = arith.addi %mul3A_2, %multiple_of3A_215 : i32
      %dma_start3A_226 = arith.constant 3 : i32
      %dma_start3A_227 = arith.constant 0 : i32
      %dma_start3A_228 = arith.constant 0 : i32
      %dma_start3A_229 = tpu.memref_slice %arg6[%dma_start3A_226, %dma_start3A_227, %dma_start3A_228] : memref<4x32x768xf32, #tpu.memory_space<vmem>> -> memref<1x32x768xf32, #tpu.memory_space<vmem>>
      %dma_start3A_230 = tpu.memref_squeeze %dma_start3A_229 : memref<1x32x768xf32, #tpu.memory_space<vmem>> -> memref<32x768xf32, #tpu.memory_space<vmem>>
      %dma_start3A_231 = arith.constant 0 : i32
      %dma_start3A_232 = tpu.memref_slice %arg4[%add3A_225, %dma_start3A_231] : memref<8192x768xf32, #tpu.memory_space<hbm>> -> memref<32x768xf32, #tpu.memory_space<hbm>>
      %dma_start3A_233 = arith.constant 0 : i32
      %dma_start3A_234 = tpu.memref_slice %arg4[%add3A_225, %dma_start3A_233] : memref<8192x768xf32, #tpu.memory_space<hbm>> -> memref<32x768xf32, #tpu.memory_space<hbm>>
      %dma_start3A_235 = arith.constant 0 : i32
      %dma_start3A_236 = arith.constant 0 : i32
      %dma_start3A_237 = tpu.memref_slice %arg6[%dma_start3A_226, %dma_start3A_235, %dma_start3A_236] : memref<4x32x768xf32, #tpu.memory_space<vmem>> -> memref<1x32x768xf32, #tpu.memory_space<vmem>>
      %dma_start3A_238 = tpu.memref_squeeze %dma_start3A_237 : memref<1x32x768xf32, #tpu.memory_space<vmem>> -> memref<32x768xf32, #tpu.memory_space<vmem>>
      tpu.enqueue_dma source(%dma_start3A_238 : memref<32x768xf32, #tpu.memory_space<vmem>>) target(%dma_start3A_234 : memref<32x768xf32, #tpu.memory_space<hbm>>) target_semaphore(%arg14 : memref<!tpu.dma_semaphore, #tpu.memory_space<semaphore_mem>>)
      %add3A_239 = arith.constant 4 : i32
      %add3A_240 = arith.addi %add3A_212, %add3A_239 : i32
      %sub3A_241 = arith.constant 1 : i32
      %sub3A_242 = arith.subi %add3A_240, %sub3A_241 : i32
      %lt3A_243 = arith.constant 8 : i32
      %lt3A_244 = arith.cmpi slt, %sub3A_242, %lt3A_243 : i32
      %convert_element_type3A_245 = arith.extui %lt3A_244 : i1 to i32
      %cond3A_246 = arith.constant 0 : i32
      %cond3A_247 = arith.cmpi ne, %convert_element_type3A_245, %cond3A_246 : i32
      scf.if %cond3A_247 {
        %ge3A = arith.constant 1 : i32
        %ge3A_248 = arith.cmpi sge, %add3A_212, %ge3A : i32
        %convert_element_type3A_249 = arith.extui %ge3A_248 : i1 to i32
        %cond3A_250 = arith.constant 0 : i32
        %cond3A_251 = arith.cmpi ne, %convert_element_type3A_249, %cond3A_250 : i32
        scf.if %cond3A_251 {
          %sub3A_268 = arith.constant 1 : i32
          %sub3A_269 = arith.subi %add3A_212, %sub3A_268 : i32
          %mul3A_270 = arith.constant 32 : i32
          %mul3A_271 = arith.muli %sub3A_269, %mul3A_270 : i32
          %multiple_of3A_272 = tpu.assume_multiple %mul3A_271, 32 : i32
          %add3A_273 = arith.addi %mul3A_2, %multiple_of3A_272 : i32
          %dma_wait3A_274 = arith.constant 2 : i32
          %dma_wait3A_275 = arith.constant 0 : i32
          %dma_wait3A_276 = arith.constant 0 : i32
          %dma_wait3A_277 = tpu.memref_slice %arg6[%dma_wait3A_274, %dma_wait3A_275, %dma_wait3A_276] : memref<4x32x768xf32, #tpu.memory_space<vmem>> -> memref<1x32x768xf32, #tpu.memory_space<vmem>>
          %dma_wait3A_278 = tpu.memref_squeeze %dma_wait3A_277 : memref<1x32x768xf32, #tpu.memory_space<vmem>> -> memref<32x768xf32, #tpu.memory_space<vmem>>
          %dma_wait3A_279 = arith.constant 0 : i32
          %dma_wait3A_280 = tpu.memref_slice %arg4[%add3A_273, %dma_wait3A_279] : memref<8192x768xf32, #tpu.memory_space<hbm>> -> memref<32x768xf32, #tpu.memory_space<hbm>>
          %dma_wait3A_281 = arith.constant 0 : i32
          %dma_wait3A_282 = tpu.memref_slice %arg4[%add3A_273, %dma_wait3A_281] : memref<8192x768xf32, #tpu.memory_space<hbm>> -> memref<32x768xf32, #tpu.memory_space<hbm>>
          %dma_wait3A_283 = arith.constant 0 : i32
          %dma_wait3A_284 = arith.constant 0 : i32
          %dma_wait3A_285 = tpu.memref_slice %arg6[%dma_wait3A_274, %dma_wait3A_283, %dma_wait3A_284] : memref<4x32x768xf32, #tpu.memory_space<vmem>> -> memref<1x32x768xf32, #tpu.memory_space<vmem>>
          %dma_wait3A_286 = tpu.memref_squeeze %dma_wait3A_285 : memref<1x32x768xf32, #tpu.memory_space<vmem>> -> memref<32x768xf32, #tpu.memory_space<vmem>>
          tpu.wait_dma2 semaphore(%arg13 : memref<!tpu.dma_semaphore, #tpu.memory_space<semaphore_mem>>) src(%dma_wait3A_286 : memref<32x768xf32, #tpu.memory_space<vmem>>) dst(%dma_wait3A_282 : memref<32x768xf32, #tpu.memory_space<hbm>>)
        } else {
        }
        %add3A_252 = arith.constant 4 : i32
        %add3A_253 = arith.addi %add3A_212, %add3A_252 : i32
        %sub3A_254 = arith.constant 1 : i32
        %sub3A_255 = arith.subi %add3A_253, %sub3A_254 : i32
        %mul3A_256 = arith.constant 32 : i32
        %mul3A_257 = arith.muli %sub3A_255, %mul3A_256 : i32
        %multiple_of3A_258 = tpu.assume_multiple %mul3A_257, 32 : i32
        %dma_start3A_259 = arith.constant 2 : i32
        %dma_start3A_260 = arith.constant 0 : i32
        %dma_start3A_261 = arith.constant 0 : i32
        %dma_start3A_262 = tpu.memref_slice %arg6[%dma_start3A_259, %dma_start3A_260, %dma_start3A_261] : memref<4x32x768xf32, #tpu.memory_space<vmem>> -> memref<1x32x768xf32, #tpu.memory_space<vmem>>
        %dma_start3A_263 = tpu.memref_squeeze %dma_start3A_262 : memref<1x32x768xf32, #tpu.memory_space<vmem>> -> memref<32x768xf32, #tpu.memory_space<vmem>>
        %dma_start3A_264 = tpu.memref_slice %arg5[%multiple_of3A_258] : memref<256xi32, #tpu.memory_space<vmem>> -> memref<32xi32, #tpu.memory_space<vmem>>
        %dma_start3A_265 = arith.constant 0 : i32
        %dma_start3A_266 = arith.constant 0 : i32
        %dma_start3A_267 = tpu.memref_slice %arg3[%dma_start3A_265, %dma_start3A_266] : memref<100000x768xf32, #tpu.memory_space<hbm>> -> memref<100000x768xf32, #tpu.memory_space<hbm>>
        tpu.enqueue_indirect_dma source(%dma_start3A_267 : memref<100000x768xf32, #tpu.memory_space<hbm>>) target(%dma_start3A_263 : memref<32x768xf32, #tpu.memory_space<vmem>>) offsets(%dma_start3A_264 : memref<32xi32, #tpu.memory_space<vmem>>) semaphore(%arg9 : memref<!tpu.dma_semaphore, #tpu.memory_space<semaphore_mem>>)
      } else {
      }
    }
    %scan3A_36 = arith.constant 2 : i32
    %add3A_37 = arith.constant 128 : i32
    %add3A_38 = arith.addi %mul3A_2, %add3A_37 : i32
    %dma_wait3A = arith.constant 0 : i32
    %dma_wait3A_39 = arith.constant 0 : i32
    %dma_wait3A_40 = arith.constant 0 : i32
    %dma_wait3A_41 = tpu.memref_slice %arg6[%dma_wait3A, %dma_wait3A_39, %dma_wait3A_40] : memref<4x32x768xf32, #tpu.memory_space<vmem>> -> memref<1x32x768xf32, #tpu.memory_space<vmem>>
    %dma_wait3A_42 = tpu.memref_squeeze %dma_wait3A_41 : memref<1x32x768xf32, #tpu.memory_space<vmem>> -> memref<32x768xf32, #tpu.memory_space<vmem>>
    %dma_wait3A_43 = arith.constant 0 : i32
    %dma_wait3A_44 = tpu.memref_slice %arg4[%add3A_38, %dma_wait3A_43] : memref<8192x768xf32, #tpu.memory_space<hbm>> -> memref<32x768xf32, #tpu.memory_space<hbm>>
    %dma_wait3A_45 = arith.constant 0 : i32
    %dma_wait3A_46 = tpu.memref_slice %arg4[%add3A_38, %dma_wait3A_45] : memref<8192x768xf32, #tpu.memory_space<hbm>> -> memref<32x768xf32, #tpu.memory_space<hbm>>
    %dma_wait3A_47 = arith.constant 0 : i32
    %dma_wait3A_48 = arith.constant 0 : i32
    %dma_wait3A_49 = tpu.memref_slice %arg6[%dma_wait3A, %dma_wait3A_47, %dma_wait3A_48] : memref<4x32x768xf32, #tpu.memory_space<vmem>> -> memref<1x32x768xf32, #tpu.memory_space<vmem>>
    %dma_wait3A_50 = tpu.memref_squeeze %dma_wait3A_49 : memref<1x32x768xf32, #tpu.memory_space<vmem>> -> memref<32x768xf32, #tpu.memory_space<vmem>>
    tpu.wait_dma2 semaphore(%arg11 : memref<!tpu.dma_semaphore, #tpu.memory_space<semaphore_mem>>) src(%dma_wait3A_50 : memref<32x768xf32, #tpu.memory_space<vmem>>) dst(%dma_wait3A_46 : memref<32x768xf32, #tpu.memory_space<hbm>>)
    %add3A_51 = arith.constant 160 : i32
    %add3A_52 = arith.addi %mul3A_2, %add3A_51 : i32
    %dma_wait3A_53 = arith.constant 1 : i32
    %dma_wait3A_54 = arith.constant 0 : i32
    %dma_wait3A_55 = arith.constant 0 : i32
    %dma_wait3A_56 = tpu.memref_slice %arg6[%dma_wait3A_53, %dma_wait3A_54, %dma_wait3A_55] : memref<4x32x768xf32, #tpu.memory_space<vmem>> -> memref<1x32x768xf32, #tpu.memory_space<vmem>>
    %dma_wait3A_57 = tpu.memref_squeeze %dma_wait3A_56 : memref<1x32x768xf32, #tpu.memory_space<vmem>> -> memref<32x768xf32, #tpu.memory_space<vmem>>
    %dma_wait3A_58 = arith.constant 0 : i32
    %dma_wait3A_59 = tpu.memref_slice %arg4[%add3A_52, %dma_wait3A_58] : memref<8192x768xf32, #tpu.memory_space<hbm>> -> memref<32x768xf32, #tpu.memory_space<hbm>>
    %dma_wait3A_60 = arith.constant 0 : i32
    %dma_wait3A_61 = tpu.memref_slice %arg4[%add3A_52, %dma_wait3A_60] : memref<8192x768xf32, #tpu.memory_space<hbm>> -> memref<32x768xf32, #tpu.memory_space<hbm>>
    %dma_wait3A_62 = arith.constant 0 : i32
    %dma_wait3A_63 = arith.constant 0 : i32
    %dma_wait3A_64 = tpu.memref_slice %arg6[%dma_wait3A_53, %dma_wait3A_62, %dma_wait3A_63] : memref<4x32x768xf32, #tpu.memory_space<vmem>> -> memref<1x32x768xf32, #tpu.memory_space<vmem>>
    %dma_wait3A_65 = tpu.memref_squeeze %dma_wait3A_64 : memref<1x32x768xf32, #tpu.memory_space<vmem>> -> memref<32x768xf32, #tpu.memory_space<vmem>>
    tpu.wait_dma2 semaphore(%arg12 : memref<!tpu.dma_semaphore, #tpu.memory_space<semaphore_mem>>) src(%dma_wait3A_65 : memref<32x768xf32, #tpu.memory_space<vmem>>) dst(%dma_wait3A_61 : memref<32x768xf32, #tpu.memory_space<hbm>>)
    %add3A_66 = arith.constant 192 : i32
    %add3A_67 = arith.addi %mul3A_2, %add3A_66 : i32
    %dma_wait3A_68 = arith.constant 2 : i32
    %dma_wait3A_69 = arith.constant 0 : i32
    %dma_wait3A_70 = arith.constant 0 : i32
    %dma_wait3A_71 = tpu.memref_slice %arg6[%dma_wait3A_68, %dma_wait3A_69, %dma_wait3A_70] : memref<4x32x768xf32, #tpu.memory_space<vmem>> -> memref<1x32x768xf32, #tpu.memory_space<vmem>>
    %dma_wait3A_72 = tpu.memref_squeeze %dma_wait3A_71 : memref<1x32x768xf32, #tpu.memory_space<vmem>> -> memref<32x768xf32, #tpu.memory_space<vmem>>
    %dma_wait3A_73 = arith.constant 0 : i32
    %dma_wait3A_74 = tpu.memref_slice %arg4[%add3A_67, %dma_wait3A_73] : memref<8192x768xf32, #tpu.memory_space<hbm>> -> memref<32x768xf32, #tpu.memory_space<hbm>>
    %dma_wait3A_75 = arith.constant 0 : i32
    %dma_wait3A_76 = tpu.memref_slice %arg4[%add3A_67, %dma_wait3A_75] : memref<8192x768xf32, #tpu.memory_space<hbm>> -> memref<32x768xf32, #tpu.memory_space<hbm>>
    %dma_wait3A_77 = arith.constant 0 : i32
    %dma_wait3A_78 = arith.constant 0 : i32
    %dma_wait3A_79 = tpu.memref_slice %arg6[%dma_wait3A_68, %dma_wait3A_77, %dma_wait3A_78] : memref<4x32x768xf32, #tpu.memory_space<vmem>> -> memref<1x32x768xf32, #tpu.memory_space<vmem>>
    %dma_wait3A_80 = tpu.memref_squeeze %dma_wait3A_79 : memref<1x32x768xf32, #tpu.memory_space<vmem>> -> memref<32x768xf32, #tpu.memory_space<vmem>>
    tpu.wait_dma2 semaphore(%arg13 : memref<!tpu.dma_semaphore, #tpu.memory_space<semaphore_mem>>) src(%dma_wait3A_80 : memref<32x768xf32, #tpu.memory_space<vmem>>) dst(%dma_wait3A_76 : memref<32x768xf32, #tpu.memory_space<hbm>>)
    %add3A_81 = arith.constant 224 : i32
    %add3A_82 = arith.addi %mul3A_2, %add3A_81 : i32
    %dma_wait3A_83 = arith.constant 3 : i32
    %dma_wait3A_84 = arith.constant 0 : i32
    %dma_wait3A_85 = arith.constant 0 : i32
    %dma_wait3A_86 = tpu.memref_slice %arg6[%dma_wait3A_83, %dma_wait3A_84, %dma_wait3A_85] : memref<4x32x768xf32, #tpu.memory_space<vmem>> -> memref<1x32x768xf32, #tpu.memory_space<vmem>>
    %dma_wait3A_87 = tpu.memref_squeeze %dma_wait3A_86 : memref<1x32x768xf32, #tpu.memory_space<vmem>> -> memref<32x768xf32, #tpu.memory_space<vmem>>
    %dma_wait3A_88 = arith.constant 0 : i32
    %dma_wait3A_89 = tpu.memref_slice %arg4[%add3A_82, %dma_wait3A_88] : memref<8192x768xf32, #tpu.memory_space<hbm>> -> memref<32x768xf32, #tpu.memory_space<hbm>>
    %dma_wait3A_90 = arith.constant 0 : i32
    %dma_wait3A_91 = tpu.memref_slice %arg4[%add3A_82, %dma_wait3A_90] : memref<8192x768xf32, #tpu.memory_space<hbm>> -> memref<32x768xf32, #tpu.memory_space<hbm>>
    %dma_wait3A_92 = arith.constant 0 : i32
    %dma_wait3A_93 = arith.constant 0 : i32
    %dma_wait3A_94 = tpu.memref_slice %arg6[%dma_wait3A_83, %dma_wait3A_92, %dma_wait3A_93] : memref<4x32x768xf32, #tpu.memory_space<vmem>> -> memref<1x32x768xf32, #tpu.memory_space<vmem>>
    %dma_wait3A_95 = tpu.memref_squeeze %dma_wait3A_94 : memref<1x32x768xf32, #tpu.memory_space<vmem>> -> memref<32x768xf32, #tpu.memory_space<vmem>>
    tpu.wait_dma2 semaphore(%arg14 : memref<!tpu.dma_semaphore, #tpu.memory_space<semaphore_mem>>) src(%dma_wait3A_95 : memref<32x768xf32, #tpu.memory_space<vmem>>) dst(%dma_wait3A_91 : memref<32x768xf32, #tpu.memory_space<hbm>>)
    return
  }
}

module attributes {stable_mosaic.version = 14 : i64} {
  func.func @_ln_body(%arg0: i32, %arg1: i32, %arg2: memref<2048x768xf32, #tpu.memory_space<vmem>>, %arg3: memref<2048x768xf32, #tpu.memory_space<vmem>>, %arg4: memref<8x768xf32, #tpu.memory_space<vmem>>, %arg5: memref<2048x1xi32, #tpu.memory_space<vmem>>, %arg6: memref<2x768xf32, #tpu.memory_space<vmem>>, %arg7: memref<1x768xf32, #tpu.memory_space<vmem>>, %arg8: memref<1x768xf32, #tpu.memory_space<vmem>>, %arg9: memref<2048x768xf32, #tpu.memory_space<vmem>>) attributes {dimension_semantics = [#tpu.dimension_semantics<arbitrary>, #tpu.dimension_semantics<arbitrary>], iteration_bounds = array<i64: 1, 4>, scalar_prefetch = 0 : i64, scratch_operands = 0 : i64, tpu.core_type = #tpu.core_type<tc>, window_params = [{transform_indices = @transform_0, window_bounds = array<i64: 2048, 768>}, {transform_indices = @transform_1, window_bounds = array<i64: 2048, 768>}, {transform_indices = @transform_2, window_bounds = array<i64: 8, 768>}, {transform_indices = @transform_3, window_bounds = array<i64: 2048, 1>}, {pipeline_mode = #tpu.pipeline_mode<synchronous>, transform_indices = @transform_4, window_bounds = array<i64: 2, 768>}, {pipeline_mode = #tpu.pipeline_mode<synchronous>, transform_indices = @transform_5, window_bounds = array<i64: 1, 768>}, {pipeline_mode = #tpu.pipeline_mode<synchronous>, transform_indices = @transform_6, window_bounds = array<i64: 1, 768>}, {transform_indices = @transform_7, window_bounds = array<i64: 2048, 768>}]} {
    %get3A = arith.constant 2 : index
    %get3A_0 = arith.constant 0 : index
    %get3A_1 = vector.load %arg3[%get3A, %get3A_0] : memref<2048x768xf32, #tpu.memory_space<vmem>>, vector<2046x768xf32>
    %get3A_2 = arith.constant 0 : index
    %get3A_3 = arith.constant 0 : index
    %get3A_4 = vector.load %arg4[%get3A_2, %get3A_3] : memref<8x768xf32, #tpu.memory_space<vmem>>, vector<2x768xf32>
    %concatenate3A = tpu.concatenate %get3A_1, %get3A_4 in 0 : vector<2046x768xf32>, vector<2x768xf32> -> vector<2048x768xf32>
    %get3A_5 = arith.constant 0 : index
    %get3A_6 = arith.constant 0 : index
    %get3A_7 = vector.load %arg2[%get3A_5, %get3A_6] : memref<2048x768xf32, #tpu.memory_space<vmem>>, vector<2048x768xf32>
    %add3A = arith.addf %get3A_7, %concatenate3A : vector<2048x768xf32>
    %get3A_8 = arith.constant 0 : index
    %get3A_9 = arith.constant 0 : index
    %get3A_10 = vector.load %arg5[%get3A_8, %get3A_9] : memref<2048x1xi32, #tpu.memory_space<vmem>>, vector<2048x1xi32>
    %get3A_11 = arith.constant 0 : index
    %get3A_12 = arith.constant 0 : index
    %get3A_13 = vector.load %arg6[%get3A_11, %get3A_12] : memref<2x768xf32, #tpu.memory_space<vmem>>, vector<1x768xf32>
    %get3A_14 = arith.constant 1 : index
    %get3A_15 = arith.constant 0 : index
    %get3A_16 = vector.load %arg6[%get3A_14, %get3A_15] : memref<2x768xf32, #tpu.memory_space<vmem>>, vector<1x768xf32>
    %gt3A = arith.constant 0 : i32
    %gt3A_17 = vector.broadcast %gt3A : i32 to vector<2048x1xi32>
    %gt3A_18 = arith.cmpi sgt, %get3A_10, %gt3A_17 : vector<2048x1xi32>
    %broadcast_in_dim3A = vector.shape_cast %gt3A_18 : vector<2048x1xi1> to vector<2048x1xi1>
    %broadcast_in_dim3A_19 = vector.broadcast %broadcast_in_dim3A : vector<2048x1xi1> to vector<2048x768xi1>
    %broadcast_in_dim3A_20 = vector.shape_cast %get3A_16 : vector<1x768xf32> to vector<1x768xf32>
    %broadcast_in_dim3A_21 = vector.broadcast %broadcast_in_dim3A_20 : vector<1x768xf32> to vector<2048x768xf32>
    %broadcast_in_dim3A_22 = vector.shape_cast %get3A_13 : vector<1x768xf32> to vector<1x768xf32>
    %broadcast_in_dim3A_23 = vector.broadcast %broadcast_in_dim3A_22 : vector<1x768xf32> to vector<2048x768xf32>
    %select_n3A = arith.select %broadcast_in_dim3A_19, %broadcast_in_dim3A_21, %broadcast_in_dim3A_23 : vector<2048x768xi1>, vector<2048x768xf32>
    %add3A_24 = arith.addf %add3A, %select_n3A : vector<2048x768xf32>
    %reduce_sum3A = arith.constant dense<0.000000e+00> : vector<2048xf32>
    %reduce_sum3A_25 = vector.multi_reduction <add>, %add3A_24, %reduce_sum3A [1] : vector<2048x768xf32> to vector<2048xf32>
    %broadcast_in_dim3A_26 = vector.shape_cast %reduce_sum3A_25 : vector<2048xf32> to vector<2048x1xf32>
    %div3A = arith.constant 7.680000e+02 : f32
    %div3A_27 = vector.broadcast %div3A : f32 to vector<2048x1xf32>
    %div3A_28 = arith.divf %broadcast_in_dim3A_26, %div3A_27 : vector<2048x1xf32>
    %mul3A = arith.mulf %add3A_24, %add3A_24 : vector<2048x768xf32>
    %reduce_sum3A_29 = arith.constant dense<0.000000e+00> : vector<2048xf32>
    %reduce_sum3A_30 = vector.multi_reduction <add>, %mul3A, %reduce_sum3A_29 [1] : vector<2048x768xf32> to vector<2048xf32>
    %broadcast_in_dim3A_31 = vector.shape_cast %reduce_sum3A_30 : vector<2048xf32> to vector<2048x1xf32>
    %div3A_32 = arith.constant 7.680000e+02 : f32
    %div3A_33 = vector.broadcast %div3A_32 : f32 to vector<2048x1xf32>
    %div3A_34 = arith.divf %broadcast_in_dim3A_31, %div3A_33 : vector<2048x1xf32>
    %mul3A_35 = arith.mulf %div3A_28, %div3A_28 : vector<2048x1xf32>
    %sub3A = arith.subf %div3A_34, %mul3A_35 : vector<2048x1xf32>
    %sub3A_36 = vector.broadcast %div3A_28 : vector<2048x1xf32> to vector<2048x768xf32>
    %sub3A_37 = arith.subf %add3A_24, %sub3A_36 : vector<2048x768xf32>
    %add3A_38 = arith.constant 9.99999996E-13 : f32
    %add3A_39 = vector.broadcast %add3A_38 : f32 to vector<2048x1xf32>
    %add3A_40 = arith.addf %sub3A, %add3A_39 : vector<2048x1xf32>
    %rsqrt3A = math.rsqrt %add3A_40 : vector<2048x1xf32>
    %mul3A_41 = vector.broadcast %rsqrt3A : vector<2048x1xf32> to vector<2048x768xf32>
    %mul3A_42 = arith.mulf %sub3A_37, %mul3A_41 : vector<2048x768xf32>
    %get3A_43 = arith.constant 0 : index
    %get3A_44 = arith.constant 0 : index
    %get3A_45 = vector.load %arg7[%get3A_43, %get3A_44] : memref<1x768xf32, #tpu.memory_space<vmem>>, vector<1x768xf32>
    %mul3A_46 = vector.broadcast %get3A_45 : vector<1x768xf32> to vector<2048x768xf32>
    %mul3A_47 = arith.mulf %mul3A_42, %mul3A_46 : vector<2048x768xf32>
    %get3A_48 = arith.constant 0 : index
    %get3A_49 = arith.constant 0 : index
    %get3A_50 = vector.load %arg8[%get3A_48, %get3A_49] : memref<1x768xf32, #tpu.memory_space<vmem>>, vector<1x768xf32>
    %add3A_51 = vector.broadcast %get3A_50 : vector<1x768xf32> to vector<2048x768xf32>
    %add3A_52 = arith.addf %mul3A_47, %add3A_51 : vector<2048x768xf32>
    %swap3A = arith.constant 0 : index
    %swap3A_53 = arith.constant 0 : index
    %swap3A_54 = vector.load %arg9[%swap3A, %swap3A_53] : memref<2048x768xf32, #tpu.memory_space<vmem>>, vector<2048x768xf32>
    tpu.vector_store %arg9[%swap3A, %swap3A_53], %add3A_52 {strides = array<i32>} : memref<2048x768xf32, #tpu.memory_space<vmem>>, vector<2048x768xf32>,
    return
  }
  func.func @transform_0(%arg0: i32, %arg1: i32) -> (i32, i32) {
    %mul3A = arith.constant 1 : i32
    %mul3A_0 = arith.muli %arg1, %mul3A : i32
    %add3A = arith.addi %mul3A_0, %arg0 : i32
    %c0_i32 = arith.constant 0 : i32
    %c0_i32_1 = arith.constant 0 : i32
    return %add3A, %c0_i32 : i32, i32
  }
  func.func @transform_1(%arg0: i32, %arg1: i32) -> (i32, i32) {
    %c0_i32 = arith.constant 0 : i32
    %c0_i32_0 = arith.constant 0 : i32
    return %arg0, %c0_i32 : i32, i32
  }
  func.func @transform_2(%arg0: i32, %arg1: i32) -> (i32, i32) {
    %mul3A = arith.constant 256 : i32
    %mul3A_0 = arith.muli %arg0, %mul3A : i32
    %add3A = arith.constant 256 : i32
    %add3A_1 = arith.addi %mul3A_0, %add3A : i32
    %c0_i32 = arith.constant 0 : i32
    %c0_i32_2 = arith.constant 0 : i32
    return %add3A_1, %c0_i32 : i32, i32
  }
  func.func @transform_3(%arg0: i32, %arg1: i32) -> (i32, i32) {
    %mul3A = arith.constant 1 : i32
    %mul3A_0 = arith.muli %arg1, %mul3A : i32
    %add3A = arith.addi %mul3A_0, %arg0 : i32
    %c0_i32 = arith.constant 0 : i32
    %c0_i32_1 = arith.constant 0 : i32
    return %add3A, %c0_i32 : i32, i32
  }
  func.func @transform_4(%arg0: i32, %arg1: i32) -> (i32, i32) {
    %c0_i32 = arith.constant 0 : i32
    %c0_i32_0 = arith.constant 0 : i32
    %c0_i32_1 = arith.constant 0 : i32
    return %c0_i32, %c0_i32_0 : i32, i32
  }
  func.func @transform_5(%arg0: i32, %arg1: i32) -> (i32, i32) {
    %c0_i32 = arith.constant 0 : i32
    %c0_i32_0 = arith.constant 0 : i32
    %c0_i32_1 = arith.constant 0 : i32
    return %c0_i32, %c0_i32_0 : i32, i32
  }
  func.func @transform_6(%arg0: i32, %arg1: i32) -> (i32, i32) {
    %c0_i32 = arith.constant 0 : i32
    %c0_i32_0 = arith.constant 0 : i32
    %c0_i32_1 = arith.constant 0 : i32
    return %c0_i32, %c0_i32_0 : i32, i32
  }
  func.func @transform_7(%arg0: i32, %arg1: i32) -> (i32, i32) {
    %mul3A = arith.constant 1 : i32
    %mul3A_0 = arith.muli %arg1, %mul3A : i32
    %add3A = arith.addi %mul3A_0, %arg0 : i32
    %c0_i32 = arith.constant 0 : i32
    %c0_i32_1 = arith.constant 0 : i32
    return %add3A, %c0_i32 : i32, i32
  }
}

</mosaic_0001>

<sc_bundles>
// kernel: kernel.4.cloned.1.call-start
scs
__scs_entry_jumppad:
0x0: {  	(pc) =	sbr.rel $0x88, $3  }
0x1: {  	(tag) =	ssettag $0x0;
	lr =	simm.s32 $0x1  }
0x2: {  	[smem:$0x3F9A] =	sst lr;
	_ =	strace $0xD0000000  }
0x3: {  	_ = 	snop  }
0x4: {  	_ = 	snop  }
0x5: {  	_ = 	snop  }
0x6: {  	_ = 	snop  }
0x7: {  	_ = 	snop  }
__scs_overlays_trampoline_lowered:
0x8: {  	[smem:$0x3FA9] =	sst s0  }
0x9: {  	[smem:$0x3FAA] =	sst s1  }
0xa: {  	[smem:$0x3FAB] =	sst s2  }
0xb: {  	[smem:$0x3FAC] =	sst s3  }
0xc: {  	[smem:$0x3FAD] =	sst s4  }
0xd: {  	[smem:$0x3FAE] =	sst s5  }
0xe: {  	[smem:$0x3FAF] =	sst s6  }
0xf: {  	[smem:$0x3FB0] =	sst s7  }
0x10: {  	[smem:$0x3FB1] =	sst s8  }
0x11: {  	[smem:$0x3FB2] =	sst s9;
	s0 =	simm.s32 @!p0 $0x0  }
0x12: {  	s1 =	sld [smem:$0x3F98];
	s0 =	simm.s32 @p0 $0x1  }
0x13: {  	[smem:$0x3FB3] =	sst s0;
	s0 =	simm.s32 @!p1 $0x0  }
0x14: {  	s2 =	sld [smem:$0x3F97];
	s0 =	simm.s32 @p1 $0x1  }
0x15: {  	[smem:$0x3FB4] =	sst s0;
	s0 =	simm.s32 @!p2 $0x0  }
0x16: {  	s3 =	sld [smem:$0x3FDB];
	s0 =	simm.s32 @p2 $0x1  }
0x17: {  	s4 =	simm.s32 $0x1BF5;
	[smem:$0x3FB6] =	sst s0  }
0x18: {  	s0 =	sld [smem:$0x3F99];
	_ =	swait.ge [sflag:s4], $0x0  }
0x19: {  	s7 =	sld [smem:$0x3F9A]  }
0x1a: {  	s8 =	sadd.s32 $0xFFFFE003, lr  }
0x1b: {  	s9 =	sadd.s32 $0xFFFFFEF7, lr;
	s5 =	simm.s32 $0xFFFFFFFF;
	p2 =	slt.u32 s8, $0xFFFFF086  }
0x1c: {  	p1 =	slt.u32 s9, $0xF7A;
	s5 =	simm.s32 @!p2 $0x0  }
0x1d: {  	s5 =	simm.s32 @p1 $0x1;
	p0 =	seq.s32 s7, s2  }
0x1e: {  	s7 =	smul.u32 @!p0 $0xF7A, s2;
	p2 =	seq.s32 @!p0 s5, $0x0  }
0x1f: {  	s9 =	smul.u32 $0xF7A, s1;
	s8 =	simm.s32 @!p0 $0x1BF5;
	p2 =	por !p2, p0  }
0x20: {  	[sflag:s8] =	ssyncset.s32 @!p0 $0xFFFFF086;
	s6 =	sadd.s32 @!p0 s3, s7;
	s7 =	simm.s32 @!p0 $0x108  }
0x21: {  	s3 =	sadd.s32 s3, s9;
	s6 =	sadd.s32 @!p0 $0x88, s6;
	s7 =	simm.s32 @p2 $0x1082  }
0x22: {  	[simem:s7], [sflag:s8] =	dma.local @!p0 [hbm:s6], $0xF7A  }
0x23: {  	s9 =	sor.u32 $0xD0000000, s2;
	s6 =	simm.s32 $0x108;
	_ =	swait.ge @!p0 [sflag:s8], $0x0  }
0x24: {  	s3 =	sadd.s32 $0x88, s3;
	s6 =	simm.s32 @!p1 $0x1082;
	[sflag:s4] =	ssyncset.s32 $0xFFFFF086  }
0x25: {  	[simem:s6], [sflag:s4] =	dma.local [hbm:s3], $0xF7A  }
0x26: {  	[smem:$0x3F9A] =	sst s1;
	(tag) =	ssettag s2;
	_ =	strace s9  }
0x27: {  	s1 =	sld [smem:$0x3FAA]  }
0x28: {  	s2 =	sld [smem:$0x3FAB]  }
0x29: {  	s4 =	sld [smem:$0x3FAD]  }
0x2a: {  	p0 =	seq.s32 s5, $0x0;
	s5 =	sld [smem:$0x3FAE]  }
0x2b: {  	s6 =	sld [smem:$0x3FAF]  }
0x2c: {  	s7 =	sld [smem:$0x3FB0]  }
0x2d: {  	s3 =	simm.s32 $0x108;
	s8 =	sld [smem:$0x3FB1]  }
0x2e: {  	s3 =	simm.s32 @!p0 $0x1082;
	s9 =	sld [smem:$0x3FB2]  }
0x2f: {  	lr =	sadd.s32 s0, s3;
	s0 =	sld [smem:$0x3FA9]  }
0x30: {  	s3 =	sld [smem:$0x3FAC]  }
0x31: {  	[smem:$0x3FB5] =	sst s10  }
0x32: {  	s10 =	sld [smem:$0x3FB3];
	_ =	sdelay $0x3  }
0x33: {  	p0 =	seq.s32 s10, $0x1;
	s10 =	sld [smem:$0x3FB5];
	_ =	sdelay $0x3  }
0x34: {  	[smem:$0x3FB5] =	sst s10  }
0x35: {  	s10 =	sld [smem:$0x3FB4];
	_ =	sdelay $0x3  }
0x36: {  	p1 =	seq.s32 s10, $0x1;
	s10 =	sld [smem:$0x3FB5];
	_ =	sdelay $0x3  }
0x37: {  	[smem:$0x3FB5] =	sst s10  }
0x38: {  	s10 =	sld [smem:$0x3FB6]  }
0x39: {  	_ = 	snop;
	(pc) =	sbr.ind lr, $3  }
0x3a: {  	_ = 	snop  }
0x3b: {  	_ = 	snop  }
0x3c: {  	p2 =	seq.s32 s10, $0x1;
	s10 =	sld [smem:$0x3FB5]  }
0x3d: {  	_ =	shalt  }
0x3e: {  	_ =	shalt  }
0x3f: {  	_ =	shalt  }
0x40: {  	_ =	shalt  }
0x41: {  	_ =	shalt  }
0x42: {  	_ =	shalt  }
0x43: {  	_ =	shalt  }
0x44: {  	_ =	shalt  }
0x45: {  	_ =	shalt  }
0x46: {  	_ =	shalt  }
0x47: {  	_ =	shalt  }
0x48: {  	_ =	shalt  }
0x49: {  	_ =	shalt  }
0x4a: {  	_ =	shalt  }
0x4b: {  	_ =	shalt  }
0x4c: {  	_ =	shalt  }
0x4d: {  	_ =	shalt  }
0x4e: {  	_ =	shalt  }
0x4f: {  	_ =	shalt  }
0x50: {  	_ =	shalt  }
0x51: {  	_ =	shalt  }
0x52: {  	_ =	shalt  }
0x53: {  	_ =	shalt  }
0x54: {  	_ =	shalt  }
0x55: {  	_ =	shalt  }
0x56: {  	_ =	shalt  }
0x57: {  	_ =	shalt  }
0x58: {  	_ =	shalt  }
0x59: {  	_ =	shalt  }
0x5a: {  	_ =	shalt  }
0x5b: {  	_ =	shalt  }
0x5c: {  	_ =	shalt  }
0x5d: {  	_ =	shalt  }
0x5e: {  	_ =	shalt  }
0x5f: {  	_ =	shalt  }
0x60: {  	_ =	shalt  }
0x61: {  	_ =	shalt  }
0x62: {  	_ =	shalt  }
0x63: {  	_ =	shalt  }
0x64: {  	_ =	shalt  }
0x65: {  	_ =	shalt  }
0x66: {  	_ =	shalt  }
0x67: {  	_ =	shalt  }
0x68: {  	_ =	shalt  }
0x69: {  	_ =	shalt  }
0x6a: {  	_ =	shalt  }
0x6b: {  	_ =	shalt  }
0x6c: {  	_ =	shalt  }
0x6d: {  	_ =	shalt  }
0x6e: {  	_ =	shalt  }
0x6f: {  	_ =	shalt  }
0x70: {  	_ =	shalt  }
0x71: {  	_ =	shalt  }
0x72: {  	_ =	shalt  }
0x73: {  	_ =	shalt  }
0x74: {  	_ =	shalt  }
0x75: {  	_ =	shalt  }
0x76: {  	_ =	shalt  }
0x77: {  	_ =	shalt  }
0x78: {  	_ =	shalt  }
0x79: {  	_ =	shalt  }
0x7a: {  	_ =	shalt  }
0x7b: {  	_ =	shalt  }
0x7c: {  	_ =	shalt  }
0x7d: {  	_ =	shalt  }
0x7e: {  	_ =	shalt  }
0x7f: {  	_ =	shalt  }
0x80: {  	_ =	shalt  }
0x81: {  	_ =	shalt  }
0x82: {  	_ =	shalt  }
0x83: {  	_ =	shalt  }
0x84: {  	_ =	shalt  }
0x85: {  	_ =	shalt  }
0x86: {  	_ =	shalt  }
0x87: {  	_ =	shalt  }
.Lfunc_end0:
.L_simem_size_0:
called_computation_lowered:
.L_overlay_start_0:
0x88: {  	s2 =	sld [smem:$0x3FD9]  }
0x89: {  	s3 =	sld [smem:$0x3FFE];
	_ =	sdelay $0x1  }
0x8a: {  	s1 =	srdreg.scid  }
0x8b: {  	s0 =	sand.u32 $0x1, s1  }
0x8c: {  	s17 =	sshll.u32 s0, $0xA;
	s2 =	sadd.s32 s3, s2  }
0x8d: {  	s2 =	sadd.s32 s2, s17  }
0x8e: {  	[smem:$0x3FC1] =	sst s2  }
0x8f: {  	_ = 	snop  }
0x90: {  	s2 =	sld [smem:$0x3FC7]  }
0x91: {  	s18 =	sld [smem:$0x3FD0];
	(tm) =	ssettm $0x1  }
0x92: {  	s4 =	sld [smem:$0x3FFB];
	_ =	sdelay $0x3  }
0x93: {  	_ =	strace s4  }
0x94: {  	s4 =	sld [smem:$0x3FFC];
	_ =	sdelay $0x3  }
0x95: {  	_ =	strace s4  }
0x96: {  	s4 =	sld [smem:$0x3FFD];
	_ =	sdelay $0x3  }
0x97: {  	_ =	strace s4  }
0x98: {  	_ =	strace $0x8FFFFFFF  }
0x99: {  	s19 =	sld [smem:$0x3FDB];
	_ =	sdelay $0x1  }
0x9a: {  	s5 =	simm.s32 $_scs_section_size  }
0x9b: {  	s6 =	simm.s32 $_size__tile_overlayer_lowered;
	s7 =	simm.s32 $_tile_overlayer_lowered  }
0x9c: {  	s22 =	simm.s32 $0x1BFF;
	s21 =	sshll.u32 s7, $0x1;
	s4 =	sadd.s32 s5, s19  }
0x9d: {  	s8 =	simm.s32 $0x0;
	s20 =	sshll.u32 s6, $0x1;
	s6 =	sadd.s32 s21, s4  }
0x9e: {  	[timem:s8], [sflag:s22] =	dma.local [hbm:s6], s20  }
0x9f: {  	_ =	swait.ge [sflag:s22], s20  }
0xa0: {  	s5 =	ssub.s32 $0x0, s20;
	[sflag:s22] =	ssyncset.done $0x0  }
0xa1: {  	[sflag:s22] =	ssyncadd.s32 s5;
	_ =	sdelay $0x1  }
0xa2: {  	s23 =	simm.s32 $0x1B8B  }
0xa3: {  	_ =	swait.ge [sflag:s23], $0x1  }
0xa4: {  	[sflag:s23] =	ssyncset.done $0x0  }
0xa5: {  	s25 =	simm.s32 $0x1B8E;
	s24 =	sld [smem:$0x3FFE];
	[sflag:s23] =	ssyncadd.s32 $0xFFFFFFFF  }
0xa6: {  	s26 =	simm.s32 $execute0_lowered;
	[smem:$0x3FD2] =	sst s25  }
0xa7: {  	s6 =	sshll.u32 s26, $0x1;
	_ =	strace $0x80000046;
	[dreg:$0x1] =	wrdreg $0xFFFFFFFF  }
0xa8: {  	s28 =	simm.s32 $_size_execute0_lowered;
	s4 =	sadd.s32 s4, s6;
	[dreg:$0x0] =	wrdreg $0x0  }
0xa9: {  	s6 =	sshll.u32 s28, $0x1;
	[dreg:$0x2] =	wrdreg s4  }
0xaa: {  	[dreg:$0x3] =	wrdreg s6  }
0xab: {  	[dreg:$0x4] =	wrdreg $0xC0  }
0xac: {  	_ =	task [dreg:s8], $0x5FFFF  }
0xad: {  	[dreg:$0x1] =	wrdreg $0xFFFFFFFF  }
0xae: {  	[dreg:$0x0] =	wrdreg $0x60  }
0xaf: {  	[dreg:$0x2] =	wrdreg s18  }
0xb0: {  	[dreg:$0x3] =	wrdreg s2  }
0xb1: {  	[dreg:$0x4] =	wrdreg s24  }
0xb2: {  	[dreg:$0x5] =	wrdreg $0x9  }
0xb3: {  	_ =	task.clear_ibuf [dreg:s8], $0x6FFFF;
	_ =	strace $0x90000046  }
0xb4: {  	s29 =	simm.s32 $0x9;
	_ =	strace $0x80000048  }
0xb5: {  	_ =	swait.ge [sflag:s29], $0x1  }
0xb6: {  	[sflag:s29] =	ssyncadd.s32 $0xFFFFFFFF  }
0xb7: {  	_ =	strace $0x90000048  }
0xb8: {  	_ =	sfence  }
0xb9: {  	s30 =	sld [smem:$0x0];
	_ =	sdelay $0x2  }
0xba: {  	s31 =	sshll.u32 s1, $0xD;
	s1 =	sshrl.u32 s1, $0x2  }
0xbb: {  	s3 =	sand.u32 $0x4000, s31;
	s1 =	sadd.s32 s1, s30  }
0xbc: {  	s0 =	sor.u32 s3, s0;
	s1 =	sshll.u32 s1, $0x11  }
0xbd: {  	s0 =	sor.u32 s1, s0  }
0xbe: {  	s0 =	sadd.s32 $0x8F2B, s0  }
0xbf: {  	[sflag:s0] =	ssyncadd.remote.s32 $0x1  }
0xc0: {  	_ =	sfence.sel $0xFFFF  }
0xc1: {  	[dreg:$0x0] =	wrdreg $0xFFFFFFFF;
	(pc) =	sbr.abs _section_cstart, $3  }
0xc2: {  	[dreg:$0x1] =	wrdreg $0xFFFFFFFF  }
0xc3: {  	_ =	task.clear_ibuf [dreg:s8], $0x2FFFF;
	_ =	strace $0x9FFFFFFF  }
0xc4: {  	(tm) =	ssettm $0x7FFFFFFF  }
0xc5: {  	_ =	shalt  }
tec
execute0_lowered:
.L_overlay_start_1:
0x0: {  	(tag) =	ssettag $0x1  }
0x1: {  	s0 =	rddreg [dreg:$0x0]  }
0x2: {  	s1 =	rddreg [dreg:$0x1]  }
0x3: {  	s2 =	rddreg [dreg:$0x2];
	s3 =	simm.s32 $0x0;
	s4 =	srdreg.scid  }
0x4: {  	s5 =	stileid.u32;
	s12 =	simm.s32 $0x100;
	s24 =	simm.s32 $0x6100  }
0x5: {  	s13 =	simm.s32 $0xC100;
	s26 =	simm.s32 $0x1;
	s28 =	simm.s32 $0x12100  }
0x6: {  	s31 =	simm.s32 $0x13900;
	s9 =	simm.s32 $0x15900;
	s11 =	simm.s32 $0x16100  }
0x7: {  	s14 =	simm.s32 $0x16900;
	s15 =	simm.s32 $0x17100;
	s16 =	simm.s32 $0x17900  }
0x8: {  	s17 =	simm.s32 $0x2;
	s18 =	simm.s32 $0x5;
	s19 =	simm.s32 $0x3  }
0x9: {  	s20 =	simm.s32 $0x6;
	s21 =	simm.s32 $0x4;
	s22 =	simm.s32 $0x7  }
0xa: {  	s23 =	simm.s32 $0x0;
	[smem:$0x7FF] =	sst s3;
	s4 =	sand.u32 $0x1, s4  }
0xb: {  	s5 =	sshll.u32 s5, $0x9;
	s8 =	sadd.s32 $0x200, s1;
	s10 =	sadd.s32 $0x2600, s2  }
0xc: {  	s6 =	ssub.s32 $0x2, s4;
	s4 =	sshll.u32 s4, $0x8;
	_ =	strace $0x80000047  }
.Ltmp0:
0xd: {  	[dreg:$0x6] =	wrdreg s23;
	s4 =	sor.u32 s4, s5;
	(pc) =	sbr.rel .LBB2_1-.Ltmp0, $4  }
0xe: {  	s7 =	sshrl.u32 s6, $0x1;
	s5 =	sadd.s32 $0xE00, s2;
	s29 =	sshrl.u32 s4, $0x3  }
0xf: {  	v2 =	vlaneseq.u32;
	s2 =	simm.s32 $0x14900;
	s6 =	ssub.s32 s6, s7;
	s0 =	sadd.s32 s0, s29  }
0x10: {  	vm0 =	vmmov $0xffff;
	v1 =	vshrl.u32 v2, $0x3;
	s7 =	sadd.s32 $0x100, s1;
	s30 =	smax.u32 s6, $0x1;
	[dreg:$0x4] =	wrdreg s0  }
0x11: {  	v0 =	vand.u32 $0x7, v2;
	v2 =	vor.u32 $0x8, v2;
	v1 =	vmul.u32 $0x8, v1;
	s6 =	simm.s32 $0x15100;
	[dreg:$0x5] =	wrdreg s30;
	s0 =	simm.s32 $0x14100  }
.LBB2_7:
0x12: {  	_ =	swait.ge [sflag:s18], $0x6000  }
0x13: {  	[sflag:s18] =	ssyncset.done $0x0  }
0x14: {  	[sflag:s18] =	ssyncadd.s32 $0xFFFFA000  }
0x15: {  	_ =	swait.ge [sflag:s20], $0x6000  }
0x16: {  	[sflag:s20] =	ssyncset.done $0x0  }
0x17: {  	[sflag:s20] =	ssyncadd.s32 $0xFFFFA000  }
0x18: {  	_ =	swait.ge [sflag:s22], $0x6000  }
0x19: {  	[sflag:s22] =	ssyncset.done $0x0  }
0x1a: {  	s25 =	simm.s32 $0x8;
	[sflag:s22] =	ssyncadd.s32 $0xFFFFA000  }
0x1b: {  	_ =	swait.ge [sflag:s25], $0x6000  }
0x1c: {  	s29 =	rddreg [dreg:$0x6]  }
0x1d: {  	s23 =	rddreg [dreg:$0x5];
	s29 =	sadd.s32 $0x1, s29  }
0x1e: {  	p0 =	sne.s32 s29, s23  }
.Ltmp1:
0x1f: {  	_ = 	snop;
	(pc) =	sbr.rel @!p0 .LBB2_8-.Ltmp1, $3  }
0x20: {  	_ =	sdelay $0x1  }
0x21: {  	[sflag:s25] =	ssyncset.done $0x0  }
0x22: {  	[sflag:s25] =	ssyncadd.s32 $0xFFFFA000;
	[dreg:$0x6] =	wrdreg s29  }
.LBB2_1:
0x23: {  	s23 =	rddreg [dreg:$0x4];
	s30 =	simm.s32 $0x9  }
0x24: {  	[tilespmem:s3], [sflag:$0x9] =	stream.linear.gather [hbm4b:s23+s3], $0x100, $0x38;
	[tilespmem:$0x18100] =	vst v63  }
0x25: {  	_ =	swait.ge [sflag:s30], $0x100  }
0x26: {  	[sflag:s30] =	ssyncset.done $0x0  }
0x27: {  	[sflag:s30] =	ssyncadd.s32 $0xFFFFFF00  }
0x28: {  	v3 =	vld [tilespmem:$0x0];
	_ =	sdelay $0x4  }
0x29: {  	v4 =	vshrl.u32 v3, $0x3  }
0x2a: {  	v4 =	vmul.u32 $0x30, v4  }
0x2b: {  	v3 =	vand.u32 $0x7, v3  }
0x2c: {  	v3 =	vor.u32 v3, v4  }
0x2d: {  	v4 =	vperm.xlane v3, v0;
	_ =	sdelay $0x1  }
0x2e: {  	v4 =	vadd.s32 v1, v4;
	_ =	sdelay $0x3  }
0x2f: {  	v3 =	vperm.xlane v3, v2  }
0x30: {  	[tilespmem:s12], [sflag:$0x1] =	stream.indirect_vreg.gather [hbm4b:s1+s3], $0x80, v4, vm0, $0xb8;
	[tilespmem:$0x18100] =	vst v63  }
0x31: {  	s25 =	simm.s32 $0x900;
	v3 =	vadd.s32 v1, v3  }
0x32: {  	[tilespmem:s25], [sflag:$0x1] =	stream.indirect_vreg.gather [hbm4b:s7+s3], $0x80, v4, vm0, $0xb8;
	[tilespmem:$0x18100] =	vst v63  }
0x33: {  	s30 =	simm.s32 $0x1100  }
0x34: {  	[tilespmem:s30], [sflag:$0x1] =	stream.indirect_vreg.gather [hbm4b:s8+s3], $0x80, v4, vm0, $0xb8;
	[tilespmem:$0x18100] =	vst v63  }
0x35: {  	s25 =	simm.s32 $0x1900  }
0x36: {  	[tilespmem:s25], [sflag:$0x1] =	stream.indirect_vreg.gather [hbm4b:s1+s3], $0x80, v3, vm0, $0xb8;
	[tilespmem:$0x18100] =	vst v63  }
0x37: {  	s30 =	simm.s32 $0x2100  }
0x38: {  	[tilespmem:s30], [sflag:$0x1] =	stream.indirect_vreg.gather [hbm4b:s7+s3], $0x80, v3, vm0, $0xb8;
	[tilespmem:$0x18100] =	vst v63  }
0x39: {  	s25 =	simm.s32 $0x2900  }
0x3a: {  	[tilespmem:s25], [sflag:$0x1] =	stream.indirect_vreg.gather [hbm4b:s8+s3], $0x80, v3, vm0, $0xb8;
	[tilespmem:$0x18100] =	vst v63  }
0x3b: {  	v3 =	vld [tilespmem:$0x10];
	_ =	sdelay $0x4  }
0x3c: {  	v61 =	vshrl.u32 v3, $0x3  }
0x3d: {  	v4 =	vmul.u32 $0x30, v61  }
0x3e: {  	v3 =	vand.u32 $0x7, v3  }
0x3f: {  	v3 =	vor.u32 v3, v4  }
0x40: {  	v4 =	vperm.xlane v3, v0;
	_ =	sdelay $0x1  }
0x41: {  	v4 =	vadd.s32 v1, v4;
	_ =	sdelay $0x3  }
0x42: {  	s30 =	simm.s32 $0x3100;
	v3 =	vperm.xlane v3, v2  }
0x43: {  	[tilespmem:s30], [sflag:$0x1] =	stream.indirect_vreg.gather [hbm4b:s1+s3], $0x80, v4, vm0, $0xb8;
	[tilespmem:$0x18100] =	vst v63  }
0x44: {  	s25 =	simm.s32 $0x3900;
	v3 =	vadd.s32 v1, v3  }
0x45: {  	[tilespmem:s25], [sflag:$0x1] =	stream.indirect_vreg.gather [hbm4b:s7+s3], $0x80, v4, vm0, $0xb8;
	[tilespmem:$0x18100] =	vst v63  }
0x46: {  	s30 =	simm.s32 $0x4100  }
0x47: {  	[tilespmem:s30], [sflag:$0x1] =	stream.indirect_vreg.gather [hbm4b:s8+s3], $0x80, v4, vm0, $0xb8;
	[tilespmem:$0x18100] =	vst v63  }
0x48: {  	s25 =	simm.s32 $0x4900  }
0x49: {  	[tilespmem:s25], [sflag:$0x1] =	stream.indirect_vreg.gather [hbm4b:s1+s3], $0x80, v3, vm0, $0xb8;
	[tilespmem:$0x18100] =	vst v63  }
0x4a: {  	s30 =	simm.s32 $0x5100  }
0x4b: {  	[tilespmem:s30], [sflag:$0x1] =	stream.indirect_vreg.gather [hbm4b:s7+s3], $0x80, v3, vm0, $0xb8;
	[tilespmem:$0x18100] =	vst v63  }
0x4c: {  	s25 =	simm.s32 $0x5900  }
0x4d: {  	[tilespmem:s25], [sflag:$0x1] =	stream.indirect_vreg.gather [hbm4b:s8+s3], $0x80, v3, vm0, $0xb8;
	[tilespmem:$0x18100] =	vst v63  }
0x4e: {  	v3 =	vld [tilespmem:$0x20];
	_ =	sdelay $0x4  }
0x4f: {  	v62 =	vshrl.u32 v3, $0x3  }
0x50: {  	v4 =	vmul.u32 $0x30, v62  }
0x51: {  	v3 =	vand.u32 $0x7, v3  }
0x52: {  	v3 =	vor.u32 v3, v4  }
0x53: {  	v4 =	vperm.xlane v3, v0;
	_ =	sdelay $0x1  }
0x54: {  	v4 =	vadd.s32 v1, v4;
	_ =	sdelay $0x3  }
0x55: {  	v3 =	vperm.xlane v3, v2  }
0x56: {  	[tilespmem:s24], [sflag:$0x2] =	stream.indirect_vreg.gather [hbm4b:s1+s3], $0x80, v4, vm0, $0xb8;
	[tilespmem:$0x18100] =	vst v63  }
0x57: {  	s30 =	simm.s32 $0x6900;
	v3 =	vadd.s32 v1, v3  }
0x58: {  	[tilespmem:s30], [sflag:$0x2] =	stream.indirect_vreg.gather [hbm4b:s7+s3], $0x80, v4, vm0, $0xb8;
	[tilespmem:$0x18100] =	vst v63  }
0x59: {  	s25 =	simm.s32 $0x7100  }
0x5a: {  	[tilespmem:s25], [sflag:$0x2] =	stream.indirect_vreg.gather [hbm4b:s8+s3], $0x80, v4, vm0, $0xb8;
	[tilespmem:$0x18100] =	vst v63  }
0x5b: {  	s30 =	simm.s32 $0x7900  }
0x5c: {  	[tilespmem:s30], [sflag:$0x2] =	stream.indirect_vreg.gather [hbm4b:s1+s3], $0x80, v3, vm0, $0xb8;
	[tilespmem:$0x18100] =	vst v63  }
0x5d: {  	s25 =	simm.s32 $0x8100  }
0x5e: {  	[tilespmem:s25], [sflag:$0x2] =	stream.indirect_vreg.gather [hbm4b:s7+s3], $0x80, v3, vm0, $0xb8;
	[tilespmem:$0x18100] =	vst v63  }
0x5f: {  	s30 =	simm.s32 $0x8900  }
0x60: {  	[tilespmem:s30], [sflag:$0x2] =	stream.indirect_vreg.gather [hbm4b:s8+s3], $0x80, v3, vm0, $0xb8;
	[tilespmem:$0x18100] =	vst v63  }
0x61: {  	v3 =	vld [tilespmem:$0x30];
	_ =	sdelay $0x4  }
0x62: {  	v63 =	vshrl.u32 v3, $0x3  }
0x63: {  	v4 =	vmul.u32 $0x30, v63  }
0x64: {  	v3 =	vand.u32 $0x7, v3  }
0x65: {  	v3 =	vor.u32 v3, v4  }
0x66: {  	v4 =	vperm.xlane v3, v0;
	_ =	sdelay $0x1  }
0x67: {  	v4 =	vadd.s32 v1, v4;
	_ =	sdelay $0x3  }
0x68: {  	s25 =	simm.s32 $0x9100;
	v3 =	vperm.xlane v3, v2  }
0x69: {  	[tilespmem:s25], [sflag:$0x2] =	stream.indirect_vreg.gather [hbm4b:s1+s3], $0x80, v4, vm0, $0xb8;
	[tilespmem:$0x18100] =	vst v63  }
0x6a: {  	s30 =	simm.s32 $0x9900;
	v3 =	vadd.s32 v1, v3  }
0x6b: {  	[tilespmem:s30], [sflag:$0x2] =	stream.indirect_vreg.gather [hbm4b:s7+s3], $0x80, v4, vm0, $0xb8;
	[tilespmem:$0x18100] =	vst v63  }
0x6c: {  	s25 =	simm.s32 $0xA100  }
0x6d: {  	[tilespmem:s25], [sflag:$0x2] =	stream.indirect_vreg.gather [hbm4b:s8+s3], $0x80, v4, vm0, $0xb8;
	[tilespmem:$0x18100] =	vst v63  }
0x6e: {  	s30 =	simm.s32 $0xA900  }
0x6f: {  	[tilespmem:s30], [sflag:$0x2] =	stream.indirect_vreg.gather [hbm4b:s1+s3], $0x80, v3, vm0, $0xb8;
	[tilespmem:$0x18100] =	vst v63  }
0x70: {  	p0 =	por $0x1, $0x1;
	s29 =	simm.s32 $0x40;
	s25 =	simm.s32 $0xB100  }
0x71: {  	[tilespmem:s25], [sflag:$0x2] =	stream.indirect_vreg.gather [hbm4b:s7+s3], $0x80, v3, vm0, $0xb8;
	[tilespmem:$0x18100] =	vst v63  }
0x72: {  	s23 =	simm.s32 $0x0;
	s30 =	simm.s32 $0xB900;
	s25 =	simm.s32 $0x50  }
0x73: {  	[tilespmem:s30], [sflag:$0x2] =	stream.indirect_vreg.gather [hbm4b:s8+s3], $0x80, v3, vm0, $0xb8;
	[tilespmem:$0x18100] =	vst v63  }
.LBB2_2:
0x74: {  	v3 =	vld [tilespmem:s29+$0x0];
	_ =	sdelay $0x4  }
0x75: {  	v4 =	vshrl.u32 v3, $0x3  }
0x76: {  	v4 =	vmul.u32 $0x30, v4  }
0x77: {  	v3 =	vand.u32 $0x7, v3  }
0x78: {  	v3 =	vor.u32 v3, v4  }
0x79: {  	v4 =	vperm.xlane v3, v0;
	_ =	sdelay $0x1  }
0x7a: {  	v4 =	vadd.s32 v1, v4;
	_ =	sdelay $0x3  }
0x7b: {  	v3 =	vperm.xlane v3, v2  }
0x7c: {  	[tilespmem:s13], [sflag:$0x3] =	stream.indirect_vreg.gather [hbm4b:s1+s3], $0x80, v4, vm0, $0xb8;
	[tilespmem:$0x18100] =	vst v63  }
0x7d: {  	s30 =	simm.s32 $0xC900;
	v3 =	vadd.s32 v1, v3  }
0x7e: {  	[tilespmem:s30], [sflag:$0x3] =	stream.indirect_vreg.gather [hbm4b:s7+s3], $0x80, v4, vm0, $0xb8;
	[tilespmem:$0x18100] =	vst v63  }
0x7f: {  	s30 =	simm.s32 $0xD100  }
0x80: {  	[tilespmem:s30], [sflag:$0x3] =	stream.indirect_vreg.gather [hbm4b:s8+s3], $0x80, v4, vm0, $0xb8;
	[tilespmem:$0x18100] =	vst v63  }
0x81: {  	s30 =	simm.s32 $0xD900  }
0x82: {  	[tilespmem:s30], [sflag:$0x3] =	stream.indirect_vreg.gather [hbm4b:s1+s3], $0x80, v3, vm0, $0xb8;
	[tilespmem:$0x18100] =	vst v63  }
0x83: {  	s30 =	simm.s32 $0xE100  }
0x84: {  	[tilespmem:s30], [sflag:$0x3] =	stream.indirect_vreg.gather [hbm4b:s7+s3], $0x80, v3, vm0, $0xb8;
	[tilespmem:$0x18100] =	vst v63  }
0x85: {  	s30 =	simm.s32 $0xE900  }
0x86: {  	[tilespmem:s30], [sflag:$0x3] =	stream.indirect_vreg.gather [hbm4b:s8+s3], $0x80, v3, vm0, $0xb8;
	[tilespmem:$0x18100] =	vst v63  }
0x87: {  	v3 =	vld [tilespmem:s25+$0x0];
	_ =	sdelay $0x4  }
0x88: {  	v61 =	vshrl.u32 v3, $0x3  }
0x89: {  	v4 =	vmul.u32 $0x30, v61  }
0x8a: {  	v3 =	vand.u32 $0x7, v3  }
0x8b: {  	v3 =	vor.u32 v3, v4  }
0x8c: {  	v4 =	vperm.xlane v3, v0;
	_ =	sdelay $0x1  }
0x8d: {  	v4 =	vadd.s32 v1, v4;
	_ =	sdelay $0x3  }
0x8e: {  	s29 =	simm.s32 $0xF100;
	v3 =	vperm.xlane v3, v2  }
0x8f: {  	[tilespmem:s29], [sflag:$0x3] =	stream.indirect_vreg.gather [hbm4b:s1+s3], $0x80, v4, vm0, $0xb8;
	[tilespmem:$0x18100] =	vst v63  }
0x90: {  	s30 =	simm.s32 $0xF900;
	v3 =	vadd.s32 v1, v3  }
0x91: {  	[tilespmem:s30], [sflag:$0x3] =	stream.indirect_vreg.gather [hbm4b:s7+s3], $0x80, v4, vm0, $0xb8;
	[tilespmem:$0x18100] =	vst v63  }
0x92: {  	s29 =	simm.s32 $0x10100  }
0x93: {  	[tilespmem:s29], [sflag:$0x3] =	stream.indirect_vreg.gather [hbm4b:s8+s3], $0x80, v4, vm0, $0xb8;
	[tilespmem:$0x18100] =	vst v63  }
0x94: {  	s30 =	simm.s32 $0x10900  }
0x95: {  	[tilespmem:s30], [sflag:$0x3] =	stream.indirect_vreg.gather [hbm4b:s1+s3], $0x80, v3, vm0, $0xb8;
	[tilespmem:$0x18100] =	vst v63  }
0x96: {  	s29 =	simm.s32 $0x11100  }
0x97: {  	[tilespmem:s29], [sflag:$0x3] =	stream.indirect_vreg.gather [hbm4b:s7+s3], $0x80, v3, vm0, $0xb8;
	[tilespmem:$0x18100] =	vst v63  }
0x98: {  	s29 =	sshll.u32 s23, $0x7  }
0x99: {  	s30 =	simm.s32 $0x11900;
	s25 =	sor.u32 s4, s29  }
0x9a: {  	[tilespmem:s30], [sflag:$0x3] =	stream.indirect_vreg.gather [hbm4b:s8+s3], $0x80, v3, vm0, $0xb8;
	[tilespmem:$0x18100] =	vst v63  }
0x9b: {  	s25 =	sshrl.u32 s25, $0x3  }
0x9c: {  	_ =	swait.ge [sflag:s26], $0x6000;
	s25 =	smul.u32 $0x300, s25  }
0x9d: {  	[sflag:s26] =	ssyncset.done $0x0  }
0x9e: {  	s29 =	simm.s32 @!p0 $0x8;
	[sflag:s26] =	ssyncadd.s32 $0xFFFFA000;
	s30 =	sadd.s32 s5, s25  }
0x9f: {  	[hbm4b:s30+s3] =	stream.linear.scatter [tilespmem:s12], [sflag:$0x5], $0x6000, $0x38;
	[tilespmem:$0x18100] =	vst v63  }
0xa0: {  	s30 =	sshllo.u32 s23, $0x2;
	_ =	swait.ge @!p0 [sflag:s29], $0x6000  }
0xa1: {  	s23 =	sshll.u32 s30, $0x5;
	[sflag:s29] =	ssyncset.done @!p0 $0x0  }
0xa2: {  	[sflag:s29] =	ssyncadd.s32 @!p0 $0xFFFFA000;
	s29 =	sand.u32 $0x3FFFFFE0, s23  }
0xa3: {  	v3 =	vld [tilespmem:s29+$0x0];
	_ =	sdelay $0x4  }
0xa4: {  	v62 =	vshrl.u32 v3, $0x3  }
0xa5: {  	v4 =	vmul.u32 $0x30, v62  }
0xa6: {  	v3 =	vand.u32 $0x7, v3  }
0xa7: {  	v3 =	vor.u32 v3, v4  }
0xa8: {  	v4 =	vperm.xlane v3, v0;
	_ =	sdelay $0x1  }
0xa9: {  	v4 =	vadd.s32 v1, v4;
	_ =	sdelay $0x3  }
0xaa: {  	v3 =	vperm.xlane v3, v2  }
0xab: {  	[tilespmem:s28], [sflag:$0x4] =	stream.indirect_vreg.gather [hbm4b:s1+s3], $0x80, v4, vm0, $0xb8;
	[tilespmem:$0x18100] =	vst v63  }
0xac: {  	s30 =	simm.s32 $0x12900;
	v3 =	vadd.s32 v1, v3  }
0xad: {  	[tilespmem:s30], [sflag:$0x4] =	stream.indirect_vreg.gather [hbm4b:s7+s3], $0x80, v4, vm0, $0xb8;
	[tilespmem:$0x18100] =	vst v63  }
0xae: {  	s30 =	simm.s32 $0x13100  }
0xaf: {  	[tilespmem:s30], [sflag:$0x4] =	stream.indirect_vreg.gather [hbm4b:s8+s3], $0x80, v4, vm0, $0xb8;
	[tilespmem:$0x18100] =	vst v63  }
0xb0: {  	_ = 	snop  }
0xb1: {  	[tilespmem:s31], [sflag:$0x4] =	stream.indirect_vreg.gather [hbm4b:s1+s3], $0x80, v3, vm0, $0xb8;
	[tilespmem:$0x18100] =	vst v63  }
0xb2: {  	_ = 	snop  }
0xb3: {  	[tilespmem:s0], [sflag:$0x4] =	stream.indirect_vreg.gather [hbm4b:s7+s3], $0x80, v3, vm0, $0xb8;
	[tilespmem:$0x18100] =	vst v63  }
0xb4: {  	_ = 	snop  }
0xb5: {  	[tilespmem:s2], [sflag:$0x4] =	stream.indirect_vreg.gather [hbm4b:s8+s3], $0x80, v3, vm0, $0xb8;
	[tilespmem:$0x18100] =	vst v63  }
0xb6: {  	v3 =	vld [tilespmem:s29+$0x10];
	_ =	sdelay $0x4  }
0xb7: {  	v63 =	vshrl.u32 v3, $0x3  }
0xb8: {  	v4 =	vmul.u32 $0x30, v63  }
0xb9: {  	v3 =	vand.u32 $0x7, v3  }
0xba: {  	v3 =	vor.u32 v3, v4  }
0xbb: {  	v4 =	vperm.xlane v3, v0;
	_ =	sdelay $0x1  }
0xbc: {  	v4 =	vadd.s32 v1, v4;
	_ =	sdelay $0x3  }
0xbd: {  	v3 =	vperm.xlane v3, v2  }
0xbe: {  	[tilespmem:s6], [sflag:$0x4] =	stream.indirect_vreg.gather [hbm4b:s1+s3], $0x80, v4, vm0, $0xb8;
	[tilespmem:$0x18100] =	vst v63  }
0xbf: {  	v3 =	vadd.s32 v1, v3  }
0xc0: {  	[tilespmem:s9], [sflag:$0x4] =	stream.indirect_vreg.gather [hbm4b:s7+s3], $0x80, v4, vm0, $0xb8;
	[tilespmem:$0x18100] =	vst v63  }
0xc1: {  	_ = 	snop  }
0xc2: {  	[tilespmem:s11], [sflag:$0x4] =	stream.indirect_vreg.gather [hbm4b:s8+s3], $0x80, v4, vm0, $0xb8;
	[tilespmem:$0x18100] =	vst v63  }
0xc3: {  	_ = 	snop  }
0xc4: {  	[tilespmem:s14], [sflag:$0x4] =	stream.indirect_vreg.gather [hbm4b:s1+s3], $0x80, v3, vm0, $0xb8;
	[tilespmem:$0x18100] =	vst v63  }
0xc5: {  	_ = 	snop  }
0xc6: {  	[tilespmem:s15], [sflag:$0x4] =	stream.indirect_vreg.gather [hbm4b:s7+s3], $0x80, v3, vm0, $0xb8;
	[tilespmem:$0x18100] =	vst v63  }
0xc7: {  	_ = 	snop  }
0xc8: {  	[tilespmem:s16], [sflag:$0x4] =	stream.indirect_vreg.gather [hbm4b:s8+s3], $0x80, v3, vm0, $0xb8;
	[tilespmem:$0x18100] =	vst v63  }
.Ltmp2:
0xc9: {  	_ = 	snop;
	(pc) =	sbr.rel @!p0 .LBB2_4-.Ltmp2, $4  }
0xca: {  	_ =	swait.ge [sflag:s17], $0x6000  }
0xcb: {  	s30 =	sadd.s32 s25, s5;
	[sflag:s17] =	ssyncset.done $0x0  }
0xcc: {  	s29 =	sadd.s32 $0xC00, s30;
	[sflag:s17] =	ssyncadd.s32 $0xFFFFA000  }
0xcd: {  	[hbm4b:s29+s3] =	stream.linear.scatter [tilespmem:s24], [sflag:$0x6], $0x6000, $0x38;
	[tilespmem:$0x18100] =	vst v63  }
0xce: {  	_ =	swait.ge [sflag:s18], $0x6000  }
0xcf: {  	[sflag:s18] =	ssyncset.done $0x0  }
0xd0: {  	[sflag:s18] =	ssyncadd.s32 $0xFFFFA000  }
0xd1: {  	v3 =	vld [tilespmem:$0x80];
	_ =	sdelay $0x4  }
0xd2: {  	v4 =	vshrl.u32 v3, $0x3  }
0xd3: {  	v4 =	vmul.u32 $0x30, v4  }
0xd4: {  	v3 =	vand.u32 $0x7, v3  }
0xd5: {  	v3 =	vor.u32 v3, v4  }
0xd6: {  	v4 =	vperm.xlane v3, v0;
	_ =	sdelay $0x1  }
0xd7: {  	v4 =	vadd.s32 v1, v4;
	_ =	sdelay $0x3  }
0xd8: {  	v3 =	vperm.xlane v3, v2  }
0xd9: {  	[tilespmem:s12], [sflag:$0x1] =	stream.indirect_vreg.gather [hbm4b:s1+s3], $0x80, v4, vm0, $0xb8;
	[tilespmem:$0x18100] =	vst v63  }
0xda: {  	s29 =	simm.s32 $0x900;
	v3 =	vadd.s32 v1, v3  }
0xdb: {  	[tilespmem:s29], [sflag:$0x1] =	stream.indirect_vreg.gather [hbm4b:s7+s3], $0x80, v4, vm0, $0xb8;
	[tilespmem:$0x18100] =	vst v63  }
0xdc: {  	s30 =	simm.s32 $0x1100  }
0xdd: {  	[tilespmem:s30], [sflag:$0x1] =	stream.indirect_vreg.gather [hbm4b:s8+s3], $0x80, v4, vm0, $0xb8;
	[tilespmem:$0x18100] =	vst v63  }
0xde: {  	s30 =	simm.s32 $0x1900  }
0xdf: {  	[tilespmem:s30], [sflag:$0x1] =	stream.indirect_vreg.gather [hbm4b:s1+s3], $0x80, v3, vm0, $0xb8;
	[tilespmem:$0x18100] =	vst v63  }
0xe0: {  	s30 =	simm.s32 $0x2100  }
0xe1: {  	[tilespmem:s30], [sflag:$0x1] =	stream.indirect_vreg.gather [hbm4b:s7+s3], $0x80, v3, vm0, $0xb8;
	[tilespmem:$0x18100] =	vst v63  }
0xe2: {  	s30 =	simm.s32 $0x2900  }
0xe3: {  	[tilespmem:s30], [sflag:$0x1] =	stream.indirect_vreg.gather [hbm4b:s8+s3], $0x80, v3, vm0, $0xb8;
	[tilespmem:$0x18100] =	vst v63  }
0xe4: {  	v3 =	vld [tilespmem:$0x90];
	_ =	sdelay $0x4  }
0xe5: {  	v61 =	vshrl.u32 v3, $0x3  }
0xe6: {  	v4 =	vmul.u32 $0x30, v61  }
0xe7: {  	v3 =	vand.u32 $0x7, v3  }
0xe8: {  	v3 =	vor.u32 v3, v4  }
0xe9: {  	v4 =	vperm.xlane v3, v0;
	_ =	sdelay $0x1  }
0xea: {  	v4 =	vadd.s32 v1, v4;
	_ =	sdelay $0x3  }
0xeb: {  	s30 =	simm.s32 $0x3100;
	v3 =	vperm.xlane v3, v2  }
0xec: {  	[tilespmem:s30], [sflag:$0x1] =	stream.indirect_vreg.gather [hbm4b:s1+s3], $0x80, v4, vm0, $0xb8;
	[tilespmem:$0x18100] =	vst v63  }
0xed: {  	v3 =	vadd.s32 v1, v3;
	s30 =	simm.s32 $0x3900  }
0xee: {  	[tilespmem:s30], [sflag:$0x1] =	stream.indirect_vreg.gather [hbm4b:s7+s3], $0x80, v4, vm0, $0xb8;
	[tilespmem:$0x18100] =	vst v63  }
0xef: {  	s30 =	simm.s32 $0x4100  }
0xf0: {  	[tilespmem:s30], [sflag:$0x1] =	stream.indirect_vreg.gather [hbm4b:s8+s3], $0x80, v4, vm0, $0xb8;
	[tilespmem:$0x18100] =	vst v63  }
0xf1: {  	s30 =	simm.s32 $0x4900  }
0xf2: {  	[tilespmem:s30], [sflag:$0x1] =	stream.indirect_vreg.gather [hbm4b:s1+s3], $0x80, v3, vm0, $0xb8;
	[tilespmem:$0x18100] =	vst v63  }
0xf3: {  	s30 =	simm.s32 $0x5100  }
0xf4: {  	[tilespmem:s30], [sflag:$0x1] =	stream.indirect_vreg.gather [hbm4b:s7+s3], $0x80, v3, vm0, $0xb8;
	[tilespmem:$0x18100] =	vst v63  }
0xf5: {  	s30 =	simm.s32 $0x5900  }
0xf6: {  	[tilespmem:s30], [sflag:$0x1] =	stream.indirect_vreg.gather [hbm4b:s8+s3], $0x80, v3, vm0, $0xb8;
	[tilespmem:$0x18100] =	vst v63  }
0xf7: {  	_ =	swait.ge [sflag:s19], $0x6000  }
0xf8: {  	[sflag:s19] =	ssyncset.done $0x0  }
0xf9: {  	s25 =	sadd.s32 s10, s25;
	[sflag:s19] =	ssyncadd.s32 $0xFFFFA000  }
0xfa: {  	[hbm4b:s25+s3] =	stream.linear.scatter [tilespmem:s13], [sflag:$0x7], $0x6000, $0x38;
	[tilespmem:$0x18100] =	vst v63  }
0xfb: {  	_ =	swait.ge [sflag:s20], $0x6000  }
0xfc: {  	[sflag:s20] =	ssyncset.done $0x0  }
0xfd: {  	[sflag:s20] =	ssyncadd.s32 $0xFFFFA000  }
0xfe: {  	v3 =	vld [tilespmem:$0xA0];
	_ =	sdelay $0x4  }
0xff: {  	v62 =	vshrl.u32 v3, $0x3  }
0x100: {  	v4 =	vmul.u32 $0x30, v62  }
0x101: {  	v3 =	vand.u32 $0x7, v3  }
0x102: {  	v3 =	vor.u32 v3, v4  }
0x103: {  	v4 =	vperm.xlane v3, v0;
	_ =	sdelay $0x1  }
0x104: {  	v4 =	vadd.s32 v1, v4;
	_ =	sdelay $0x3  }
0x105: {  	v3 =	vperm.xlane v3, v2  }
0x106: {  	[tilespmem:s24], [sflag:$0x2] =	stream.indirect_vreg.gather [hbm4b:s1+s3], $0x80, v4, vm0, $0xb8;
	[tilespmem:$0x18100] =	vst v63  }
0x107: {  	s30 =	simm.s32 $0x6900;
	v3 =	vadd.s32 v1, v3  }
0x108: {  	[tilespmem:s30], [sflag:$0x2] =	stream.indirect_vreg.gather [hbm4b:s7+s3], $0x80, v4, vm0, $0xb8;
	[tilespmem:$0x18100] =	vst v63  }
0x109: {  	s29 =	simm.s32 $0x7100  }
0x10a: {  	[tilespmem:s29], [sflag:$0x2] =	stream.indirect_vreg.gather [hbm4b:s8+s3], $0x80, v4, vm0, $0xb8;
	[tilespmem:$0x18100] =	vst v63  }
0x10b: {  	s30 =	simm.s32 $0x7900  }
0x10c: {  	[tilespmem:s30], [sflag:$0x2] =	stream.indirect_vreg.gather [hbm4b:s1+s3], $0x80, v3, vm0, $0xb8;
	[tilespmem:$0x18100] =	vst v63  }
0x10d: {  	s29 =	simm.s32 $0x8100  }
0x10e: {  	[tilespmem:s29], [sflag:$0x2] =	stream.indirect_vreg.gather [hbm4b:s7+s3], $0x80, v3, vm0, $0xb8;
	[tilespmem:$0x18100] =	vst v63  }
0x10f: {  	s30 =	simm.s32 $0x8900  }
0x110: {  	[tilespmem:s30], [sflag:$0x2] =	stream.indirect_vreg.gather [hbm4b:s8+s3], $0x80, v3, vm0, $0xb8;
	[tilespmem:$0x18100] =	vst v63  }
0x111: {  	v3 =	vld [tilespmem:$0xB0];
	_ =	sdelay $0x4  }
0x112: {  	v63 =	vshrl.u32 v3, $0x3  }
0x113: {  	v4 =	vmul.u32 $0x30, v63  }
0x114: {  	v3 =	vand.u32 $0x7, v3  }
0x115: {  	v3 =	vor.u32 v3, v4  }
0x116: {  	v4 =	vperm.xlane v3, v0;
	_ =	sdelay $0x1  }
0x117: {  	v4 =	vadd.s32 v1, v4;
	_ =	sdelay $0x3  }
0x118: {  	s29 =	simm.s32 $0x9100;
	v3 =	vperm.xlane v3, v2  }
0x119: {  	[tilespmem:s29], [sflag:$0x2] =	stream.indirect_vreg.gather [hbm4b:s1+s3], $0x80, v4, vm0, $0xb8;
	[tilespmem:$0x18100] =	vst v63  }
0x11a: {  	s30 =	simm.s32 $0x9900;
	v3 =	vadd.s32 v1, v3  }
0x11b: {  	[tilespmem:s30], [sflag:$0x2] =	stream.indirect_vreg.gather [hbm4b:s7+s3], $0x80, v4, vm0, $0xb8;
	[tilespmem:$0x18100] =	vst v63  }
0x11c: {  	s29 =	simm.s32 $0xA100  }
0x11d: {  	[tilespmem:s29], [sflag:$0x2] =	stream.indirect_vreg.gather [hbm4b:s8+s3], $0x80, v4, vm0, $0xb8;
	[tilespmem:$0x18100] =	vst v63  }
0x11e: {  	s30 =	simm.s32 $0xA900  }
0x11f: {  	[tilespmem:s30], [sflag:$0x2] =	stream.indirect_vreg.gather [hbm4b:s1+s3], $0x80, v3, vm0, $0xb8;
	[tilespmem:$0x18100] =	vst v63  }
.Ltmp3:
0x120: {  	_ = 	snop;
	(pc) =	sbr.rel .LBB2_5-.Ltmp3, $4  }
0x121: {  	s29 =	simm.s32 $0xB100  }
0x122: {  	[tilespmem:s29], [sflag:$0x2] =	stream.indirect_vreg.gather [hbm4b:s7+s3], $0x80, v3, vm0, $0xb8;
	[tilespmem:$0x18100] =	vst v63  }
0x123: {  	s30 =	simm.s32 $0xB900  }
0x124: {  	[tilespmem:s30], [sflag:$0x2] =	stream.indirect_vreg.gather [hbm4b:s8+s3], $0x80, v3, vm0, $0xb8;
	[tilespmem:$0x18100] =	vst v63  }
.LBB2_4:
0x125: {  	_ =	swait.ge [sflag:s19], $0x6000  }
0x126: {  	[sflag:s19] =	ssyncset.done $0x0  }
0x127: {  	s25 =	sadd.s32 s10, s25;
	[sflag:s19] =	ssyncadd.s32 $0xFFFFA000  }
0x128: {  	[hbm4b:s25+s3] =	stream.linear.scatter [tilespmem:s13], [sflag:$0x7], $0x6000, $0x38;
	[tilespmem:$0x18100] =	vst v63  }
.LBB2_5:
0x129: {  	s23 =	sor.u32 s4, s23  }
.Ltmp4:
0x12a: {  	s23 =	sshrl.u32 s23, $0x3;
	(pc) =	sbr.rel @!p0 .LBB2_7-.Ltmp4, $4  }
0x12b: {  	_ =	swait.ge [sflag:s21], $0x6000;
	s23 =	smul.u32 $0x300, s23  }
0x12c: {  	[sflag:s21] =	ssyncset.done $0x0  }
0x12d: {  	[sflag:s21] =	ssyncadd.s32 $0xFFFFA000;
	s23 =	sadd.s32 s5, s23  }
0x12e: {  	[hbm4b:s23+s3] =	stream.linear.scatter [tilespmem:s28], [sflag:$0x8], $0x6000, $0x38;
	[tilespmem:$0x18100] =	vst v63  }
.Ltmp5:
0x12f: {  	(pc) =	sbr.rel .LBB2_2-.Ltmp5, $4  }
0x130: {  	_ = 	snop  }
0x131: {  	_ =	swait.ge [sflag:s22], $0x6000  }
0x132: {  	s23 =	simm.s32 $0x1;
	p0 =	por $0x0, $0x0;
	[sflag:s22] =	ssyncset.done $0x0  }
0x133: {  	s25 =	simm.s32 $0xD0;
	s29 =	simm.s32 $0xC0;
	[sflag:s22] =	ssyncadd.s32 $0xFFFFA000  }
.LBB2_8:
0x134: {  	_ =	sfence.sel $0x180000  }
0x135: {  	[bflag:$0x0] =	sbarrier.arrive $0xFFFF  }
0x136: {  	_ =	strace $0x90000047  }
0x137: {  	s0 =	stileid.u32;
	[bflag:$0x2] =	sbarrier.arrive $0xFFFF  }
0x138: {  	p0 =	sne.s32 s0, $0x0;
	s0 =	rddreg [dreg:$0x3]  }
0x139: {  	s0 =	sadd.s32 @!p0 $0x100000, s0  }
0x13a: {  	[sflag:s0] =	ssyncadd.tile.s32 @!p0 $0x1;
	_ =	shalt  }
.Lfunc_end2:
_tile_overlayer_lowered:
.L_overlay_start_2:
0x13b: {  	(tag) =	ssettag $0x2  }
0x13c: {  	s0 =	rddreg [dreg:$0x0];
	s2 =	stileid.u32  }
0x13d: {  	s1 =	rddreg [dreg:$0x1];
	p0 =	sne.s32 s2, $0x0  }
0x13e: {  	s3 =	rddreg [dreg:$0x2];
	[bflag:$0x3] =	sbarrier.arrive $0xFFFF;
	s2 =	simm.s32 @!p0 $0x1C09  }
0x13f: {  	[timem:s3], [sflag:s2] =	dma.local @!p0 [hbm:s0], s1  }
0x140: {  	s0 =	simm.s32 @!p0 $0x9  }
0x141: {  	_ =	swait.ge @!p0 [sflag:s0], s1  }
0x142: {  	s1 =	ssub.s32 @!p0 $0x0, s1;
	[sflag:s0] =	ssyncset.done @!p0 $0x0  }
0x143: {  	[sflag:s0] =	ssyncadd.s32 @!p0 s1  }
0x144: {  	[bflag:$0x3] =	sbarrier.arrive $0xFFFF  }
0x145: {  	_ =	shalt  }

</sc_bundles>
